<compile_context>
chip_gen: v7x
topology: tpu7x:2x2x1
jax: 0.10.2.dev20260603
libtpu: 0.0.44.dev20260713+nightly
codegen_flags: <defaults>
</compile_context>

<pallas_src>
import dataclasses
import functools

import jax
import jax.numpy as jnp
from jax import lax
from jax.experimental import pallas as pl
from jax.experimental.pallas import tpu as pltpu
from jax.experimental.pallas import tpu_sc as plsc

_NC = 2
_NS = 16
_NW = _NC * _NS
_CHUNK = 128


def _round_up(x, m):
    return (x + m - 1) // m * m


def _gather_scatter_sum(src, gidx, sidx, dst_rows_pad, with_count,
                        chunk=_CHUNK, nslot=3):
    nnz = gidx.shape[0]
    d = src.shape[1]
    nchunks = nnz // chunk
    maxiter = -(-nchunks // _NW)
    dst_per_sub = dst_rows_pad // _NS
    mesh = plsc.VectorSubcoreMesh(core_axis_name="c", subcore_axis_name="s")

    out_types = [jax.ShapeDtypeStruct((_NC * dst_rows_pad, d), jnp.float32)]
    scratch = []
    for _ in range(nslot):
        scratch += [
            pltpu.VMEM((chunk,), jnp.int32),
            pltpu.VMEM((chunk,), jnp.int32),
            pltpu.VMEM((chunk,), jnp.int32),
            pltpu.VMEM((chunk, d), jnp.float32),
        ]
    scratch.append(pltpu.VMEM_SHARED((dst_rows_pad, d), jnp.float32))
    scratch += [pltpu.SemaphoreType.DMA] * (3 * nslot)
    if with_count:
        out_types.append(
            jax.ShapeDtypeStruct((_NW, dst_rows_pad), jnp.float32))
        scratch.append(pltpu.VMEM((dst_rows_pad,), jnp.float32))

    zrow = jnp.zeros((dst_rows_pad, d), jnp.float32)
    zhist = jnp.zeros((dst_rows_pad,), jnp.float32)

    cp = pltpu.CompilerParams()
    if with_count and "needs_layout_passes" in (
            pltpu.CompilerParams.__dataclass_fields__):
        cp = dataclasses.replace(cp, needs_layout_passes=False)

    @functools.partial(
        pl.kernel,
        out_type=tuple(out_types),
        mesh=mesh,
        compiler_params=cp,
        scratch_types=scratch,
    )
    def kern(*refs):
        if with_count:
            (src_hbm, gidx_hbm, sidx_hbm, zrow_hbm, zhist_hbm,
             out_hbm, cnt_hbm) = refs[:7]
            scr = refs[7:]
            hist = scr[-1]
        else:
            (src_hbm, gidx_hbm, sidx_hbm, zrow_hbm, out_hbm) = refs[:5]
            scr = refs[5:]
        slots = [scr[4 * i:4 * i + 4] for i in range(nslot)]
        shared = scr[4 * nslot]
        sems = scr[4 * nslot + 1:]
        sis = sems[:nslot]
        sgs = sems[nslot:2 * nslot]
        sss = sems[2 * nslot:3 * nslot]

        cid = lax.axis_index("c")
        sid = lax.axis_index("s")
        wid = sid * _NC + cid

        base0 = sid * dst_per_sub
        pltpu.sync_copy(zrow_hbm.at[pl.ds(base0, dst_per_sub)],
                        shared.at[pl.ds(base0, dst_per_sub)])
        if with_count:
            pltpu.sync_copy(zhist_hbm, hist)

        plsc.subcore_barrier()

        def start_idx(k, j):
            gv, sv, _, _ = slots[j]
            g = k * _NW + wid

            @pl.when(g < nchunks)
            def _():
                base = g * chunk
                pltpu.async_copy(gidx_hbm.at[pl.ds(base, chunk)], gv, sis[j])
                pltpu.async_copy(sidx_hbm.at[pl.ds(base, chunk)], sv, sis[j])

        def drain_scatter(k, j):
            _, _, svs, rows = slots[j]
            g = k * _NW + wid

            @pl.when(jnp.logical_and(k >= 0, g < nchunks))
            def _():
                pltpu.make_async_copy(rows, shared.at[svs], sss[j]).wait()

        def start_gather(k, j):
            gv, sv, svs, rows = slots[j]
            g = k * _NW + wid
            drain_scatter(k - nslot, j)

            @pl.when(g < nchunks)
            def _():
                pltpu.make_async_copy(
                    gidx_hbm.at[pl.ds(0, chunk)], gv, sis[j]).wait()
                pltpu.make_async_copy(
                    sidx_hbm.at[pl.ds(0, chunk)], sv, sis[j]).wait()
                pltpu.async_copy(src_hbm.at[gv], rows, sgs[j])

        def finish_scatter(k, j):
            gv, sv, svs, rows = slots[j]
            g = k * _NW + wid

            @pl.when(g < nchunks)
            def _():
                pltpu.make_async_copy(src_hbm.at[gv], rows, sgs[j]).wait()
                for h in range(chunk // 16):
                    svs[pl.ds(16 * h, 16)] = sv[pl.ds(16 * h, 16)]
                pltpu.async_copy(rows, shared.at[svs], sss[j], add=True)
                if with_count:
                    for h in range(chunk // 16):
                        idx = svs[pl.ds(16 * h, 16)]
                        plsc.addupdate_scatter(
                            hist, [idx], jnp.full((16,), 1.0, jnp.float32))

        for j in range(nslot):
            start_idx(j, j)
        for j in range(nslot - 1):
            start_gather(j, j)

        maxiter_r = _round_up(maxiter, nslot)

        @pl.loop(0, maxiter_r, step=nslot)
        def _(kk):
            for j in range(nslot):
                start_gather(kk + j + nslot - 1, (j + nslot - 1) % nslot)
                finish_scatter(kk + j, j)
                start_idx(kk + j + nslot, j)

        drain_scatter(maxiter_r - 1, (maxiter_r - 1) % nslot)

        plsc.subcore_barrier()

        out_base = cid * dst_rows_pad + base0
        pltpu.sync_copy(shared.at[pl.ds(base0, dst_per_sub)],
                        out_hbm.at[pl.ds(out_base, dst_per_sub)])
        if with_count:
            pltpu.sync_copy(hist, cnt_hbm.at[wid])

    if with_count:
        return kern(src, gidx, sidx, zrow, zhist)
    out = kern(src, gidx, sidx, zrow)
    if isinstance(out, (tuple, list)):
        out = out[0]
    return out, None


def _combine_edges(ep, hists, degE_pad):
    m_pad, d = degE_pad.shape[0], ep.shape[1]
    blk = 512
    while m_pad % blk:
        blk //= 2
    nblk = m_pad // blk

    def body(p0_ref, p1_ref, h_ref, degE_ref, out_ref):
        ones = jnp.ones((_NW, 1), jnp.float32)
        cnt = lax.dot_general(
            h_ref[...], ones, (((0,), (0,)), ((), ())),
            preferred_element_type=jnp.float32,
            precision=lax.Precision.HIGHEST)
        sums = p0_ref[...] + p1_ref[...]
        out_ref[...] = sums / jnp.maximum(cnt, 1.0) * degE_ref[...]

    return pl.pallas_call(
        body,
        grid=(nblk,),
        in_specs=[
            pl.BlockSpec((blk, d), lambda i: (i, 0)),
            pl.BlockSpec((blk, d), lambda i: (i + nblk, 0)),
            pl.BlockSpec((_NW, blk), lambda i: (0, i)),
            pl.BlockSpec((blk, 1), lambda i: (i, 0)),
        ],
        out_specs=pl.BlockSpec((blk, d), lambda i: (i, 0)),
        out_shape=jax.ShapeDtypeStruct((m_pad, d), jnp.float32),
    )(ep, ep, hists, degE_pad)


def _vertex_epilogue(vp, degV_pad, X0_pad, W, ab):
    n_pad, d = X0_pad.shape
    blk = n_pad
    for cand in (632, 316, 158, 79, 512, 256, 128, 64, 8):
        if n_pad % cand == 0 and cand % 8 == 0:
            blk = cand
            break
    grid = n_pad // blk

    def body(ab_ref, p0_ref, p1_ref, degV_ref, X0_ref, W_ref, out_ref):
        alpha = ab_ref[0]
        beta = ab_ref[1]
        Xv = (p0_ref[...] + p1_ref[...]) * degV_ref[...]
        norm = jnp.sqrt(jnp.sum(Xv * Xv, axis=1, keepdims=True))
        Xn = Xv * jnp.where(norm > 0, 1.0 / norm, 0.0)
        Xi = (1.0 - alpha) * Xn + alpha * X0_ref[...]
        XiW = lax.dot_general(
            Xi, W_ref[...], (((1,), (1,)), ((), ())),
            preferred_element_type=jnp.float32,
            precision=lax.Precision.HIGHEST)
        out_ref[...] = (1.0 - beta) * Xi + beta * XiW

    return pl.pallas_call(
        body,
        grid=(grid,),
        in_specs=[
            pl.BlockSpec(memory_space=pltpu.SMEM),
            pl.BlockSpec((blk, d), lambda i: (i, 0)),
            pl.BlockSpec((blk, d), lambda i: (i + grid, 0)),
            pl.BlockSpec((blk, 1), lambda i: (i, 0)),
            pl.BlockSpec((blk, d), lambda i: (i, 0)),
            pl.BlockSpec((d, d), lambda i: (0, 0)),
        ],
        out_specs=pl.BlockSpec((blk, d), lambda i: (i, 0)),
        out_shape=jax.ShapeDtypeStruct((n_pad, d), jnp.float32),
    )(ab, vp, vp, degV_pad, X0_pad, W)


def _pad_idx(gidx, sidx, chunk, dump_row):
    nnz = gidx.shape[0]
    pad = _round_up(nnz, chunk) - nnz
    if pad == 0:
        return gidx, sidx
    return (jnp.concatenate([gidx, jnp.zeros((pad,), jnp.int32)]),
            jnp.concatenate([sidx, jnp.full((pad,), dump_row, jnp.int32)]))


def kernel(X, vertex, edges, degV, degE, H, alpha, beta, X0, W):
    n, d = X.shape
    m = H.shape[1]
    nnz = vertex.shape[0]

    chunk1 = _CHUNK
    chunk2 = _CHUNK

    m_pad = _round_up(m, 8 * _NS)
    n_pad = _round_up(n, 8 * _NS)
    if nnz % chunk1 and m_pad == m:
        m_pad += 8 * _NS
    if nnz % chunk2 and n_pad == n:
        n_pad += 8 * _NS

    vg1, es1 = _pad_idx(vertex, edges, chunk1, m_pad - 1)
    ep, hists = _gather_scatter_sum(X, vg1, es1, m_pad, with_count=True,
                                    chunk=chunk1)

    degE_pad = jnp.concatenate(
        [degE, jnp.zeros((m_pad - m, 1), jnp.float32)])
    Xe = _combine_edges(ep, hists, degE_pad)

    eg2, vs2 = _pad_idx(edges, vertex, chunk2, n_pad - 1)
    vp, _ = _gather_scatter_sum(Xe, eg2, vs2, n_pad, with_count=False,
                                chunk=chunk2, nslot=2)

    degV_pad = jnp.concatenate(
        [degV, jnp.zeros((n_pad - n, 1), jnp.float32)])
    X0_pad = jnp.concatenate(
        [X0, jnp.zeros((n_pad - n, d), jnp.float32)])
    ab = jnp.stack([alpha.astype(jnp.float32), beta.astype(jnp.float32)])
    return _vertex_epilogue(vp, degV_pad, X0_pad, W, ab)[:n]

# --- scband reference (transcript-rebuilt; emitter-appended) ---
"""Pipeline reference for scband-uni-gcniiconv-77464030151240 (READ-ONLY COPY).

The authoritative reference and input builder live on the scoring server;
editing this copy changes nothing except your own understanding.
"""

import jax, jax.numpy as jnp
import numpy as np

N = 10000
M_EDGES = 5000
NNZ = 320000
D = 128

def setup_inputs(seed: int = 0) -> dict:
    key = jax.random.key(seed)
    ks = jax.random.split(key, 10)
    X = jax.random.normal(ks[0], (N, D), dtype=jnp.float32)
    vertex = jax.random.randint(ks[1], (NNZ,), 0, N, dtype=jnp.int32)
    edges = jax.random.randint(ks[2], (NNZ,), 0, M_EDGES, dtype=jnp.int32)
    degV = jax.random.uniform(ks[3], (N, 1), dtype=jnp.float32)
    degE = jax.random.uniform(ks[4], (M_EDGES, 1), dtype=jnp.float32)
    H = jax.random.normal(ks[5], (1, M_EDGES), dtype=jnp.float32)
    alpha = jax.random.uniform(ks[6], (), dtype=jnp.float32)
    beta = jax.random.uniform(ks[7], (), dtype=jnp.float32)
    X0 = jax.random.normal(ks[8], (N, D), dtype=jnp.float32)
    W = jax.random.normal(ks[9], (D, D), dtype=jnp.float32) * (1.0 / np.sqrt(D))
    return {"X": X, "vertex": vertex, "edges": edges, "degV": degV, "degE": degE, "H": H, "alpha": alpha, "beta": beta, "X0": X0, "W": W}

def _normalize_l2(X):
    rownorm = jnp.linalg.norm(jax.lax.stop_gradient(X), axis=1, keepdims=True)
    scale = jnp.where(rownorm > 0, 1.0 / rownorm, 0.0)
    return X * scale

def reference(X, vertex, edges, degV, degE, H, alpha, beta, X0, W):
    n = X.shape[0]
    m = H.shape[1]
    # gather vertex features onto incidences
    Xve = jnp.take(X, vertex, axis=0)
    # scatter-mean over hyperedges (first_aggregate='mean')
    sums = jax.ops.segment_sum(Xve, edges, num_segments=m)
    cnt = jax.ops.segment_sum(jnp.ones((Xve.shape[0], 1), dtype=X.dtype), edges, num_segments=m)
    Xe = sums / jnp.maximum(cnt, 1.0)
    Xe = Xe * degE
    # gather hyperedge features back to incidences
    Xev = jnp.take(Xe, edges, axis=0)
    # scatter-sum back to vertices
    Xv = jax.ops.segment_sum(Xev, vertex, num_segments=n)
    Xv = Xv * degV
    Xn = Xv
    # use_norm=True
    Xn = _normalize_l2(Xn)
    Xi = (1.0 - alpha) * Xn + alpha * X0
    out = (1.0 - beta) * Xi + beta * (Xi @ W.T)
    return out

if False:  # reference __main__ guard neutralized (emitter)
    inp = setup_inputs()
    o = reference(**inp)
    print(o.shape, o.dtype)

if __name__ == "__main__":
    import jax
    _d = setup_inputs()
    print(jax.jit(kernel)(*tuple(_d.values())))

</pallas_src>

<mosaic_0001>
#map = affine_map<(d0, d1) -> (0, 0)>
#map1 = affine_map<(d0, d1) -> (0)>
module attributes {stable_mosaic.version = 14 : i64} {
  func.func @kern(%arg0: i32, %arg1: i32, %arg2: memref<5120x128xf32, #tpu.memory_space<hbm>>, %arg3: memref<320000xi32, #tpu.memory_space<hbm>>, %arg4: memref<320000xi32, #tpu.memory_space<hbm>>, %arg5: memref<10112x128xf32, #tpu.memory_space<hbm>>, %arg6: memref<20224x128xf32, #tpu.memory_space<hbm>>, %arg7: memref<128xi32, #tpu.memory_space<vmem>>, %arg8: memref<128xi32, #tpu.memory_space<vmem>>, %arg9: memref<128xi32, #tpu.memory_space<vmem>>, %arg10: memref<128x128xf32, #tpu.memory_space<vmem>>, %arg11: memref<128xi32, #tpu.memory_space<vmem>>, %arg12: memref<128xi32, #tpu.memory_space<vmem>>, %arg13: memref<128xi32, #tpu.memory_space<vmem>>, %arg14: memref<128x128xf32, #tpu.memory_space<vmem>>, %arg15: memref<10112x128xf32, #tpu.memory_space<vmem_shared>>, %arg16: memref<!tpu.dma_semaphore, #tpu.memory_space<semaphore_mem>>, %arg17: memref<!tpu.dma_semaphore, #tpu.memory_space<semaphore_mem>>, %arg18: memref<!tpu.dma_semaphore, #tpu.memory_space<semaphore_mem>>, %arg19: memref<!tpu.dma_semaphore, #tpu.memory_space<semaphore_mem>>, %arg20: memref<!tpu.dma_semaphore, #tpu.memory_space<semaphore_mem>>, %arg21: memref<!tpu.dma_semaphore, #tpu.memory_space<semaphore_mem>>) attributes {dimension_semantics = [#tpu.dimension_semantics<core_parallel>, #tpu.dimension_semantics<subcore_parallel>], iteration_bounds = array<i64: 2, 16>, scalar_prefetch = 0 : i64, scratch_operands = 15 : i64, tpu.core_type = #tpu.core_type<sc_vector_subcore>, window_params = [{transform_indices = #map}, {transform_indices = #map1}, {transform_indices = #map1}, {transform_indices = #map}, {transform_indices = #map}]} {
    %mul3A = arith.constant 2 : i32
    %mul3A_0 = arith.muli %arg1, %mul3A : i32
    %add3A = arith.addi %mul3A_0, %arg0 : i32
    %mul3A_1 = arith.constant 632 : i32
    %mul3A_2 = arith.muli %arg1, %mul3A_1 : i32
    "tpu.region"() ({
      %run_scoped3A = tpu.sem_alloc : memref<!tpu.dma_semaphore, #tpu.memory_space<semaphore_mem>>
      %dma_start3A = arith.constant 0 : i32
      %dma_start3A_46 = tpu.memref_slice %arg15[%mul3A_2, %dma_start3A] : memref<10112x128xf32, #tpu.memory_space<vmem_shared>> -> memref<632x128xf32, #tpu.memory_space<vmem_shared>>
      %dma_start3A_47 = arith.constant 0 : i32
      %dma_start3A_48 = tpu.memref_slice %arg5[%mul3A_2, %dma_start3A_47] : memref<10112x128xf32, #tpu.memory_space<hbm>> -> memref<632x128xf32, #tpu.memory_space<hbm>>
      tpu.enqueue_dma source(%dma_start3A_48 : memref<632x128xf32, #tpu.memory_space<hbm>>) target(%dma_start3A_46 : memref<632x128xf32, #tpu.memory_space<vmem_shared>>) target_semaphore(%run_scoped3A : memref<!tpu.dma_semaphore, #tpu.memory_space<semaphore_mem>>)
      %dma_wait3A = arith.constant 0 : i32
      %dma_wait3A_49 = tpu.memref_slice %arg15[%mul3A_2, %dma_wait3A] : memref<10112x128xf32, #tpu.memory_space<vmem_shared>> -> memref<632x128xf32, #tpu.memory_space<vmem_shared>>
      %dma_wait3A_50 = arith.constant 0 : i32
      %dma_wait3A_51 = tpu.memref_slice %arg5[%mul3A_2, %dma_wait3A_50] : memref<10112x128xf32, #tpu.memory_space<hbm>> -> memref<632x128xf32, #tpu.memory_space<hbm>>
      tpu.wait_dma2 semaphore(%run_scoped3A : memref<!tpu.dma_semaphore, #tpu.memory_space<semaphore_mem>>) src(%dma_wait3A_51 : memref<632x128xf32, #tpu.memory_space<hbm>>) dst(%dma_wait3A_49 : memref<632x128xf32, #tpu.memory_space<vmem_shared>>)
      tpu.yield
    }) : () -> ()
    %barrier3A = arith.constant 0 : index
    tpu.barrier barrier_id(%barrier3A)
    %add3A_3 = arith.constant 0 : i32
    %add3A_4 = arith.addi %add3A_3, %add3A : i32
    %lt3A = arith.constant 2500 : i32
    %lt3A_5 = arith.cmpi slt, %add3A_4, %lt3A : i32
    %convert_element_type3A = arith.extui %lt3A_5 : i1 to i32
    %cond3A = arith.constant 0 : i32
    %cond3A_6 = arith.cmpi ne, %convert_element_type3A, %cond3A : i32
    scf.if %cond3A_6 {
      %mul3A_46 = arith.constant 128 : i32
      %mul3A_47 = arith.muli %add3A_4, %mul3A_46 : i32
      %dma_start3A = tpu.memref_slice %arg3[%mul3A_47] : memref<320000xi32, #tpu.memory_space<hbm>> -> memref<128xi32, #tpu.memory_space<hbm>>
      %dma_start3A_48 = tpu.memref_slice %arg3[%mul3A_47] : memref<320000xi32, #tpu.memory_space<hbm>> -> memref<128xi32, #tpu.memory_space<hbm>>
      tpu.enqueue_dma source(%dma_start3A_48 : memref<128xi32, #tpu.memory_space<hbm>>) target(%arg7 : memref<128xi32, #tpu.memory_space<vmem>>) target_semaphore(%arg16 : memref<!tpu.dma_semaphore, #tpu.memory_space<semaphore_mem>>)
      %dma_start3A_49 = tpu.memref_slice %arg4[%mul3A_47] : memref<320000xi32, #tpu.memory_space<hbm>> -> memref<128xi32, #tpu.memory_space<hbm>>
      %dma_start3A_50 = tpu.memref_slice %arg4[%mul3A_47] : memref<320000xi32, #tpu.memory_space<hbm>> -> memref<128xi32, #tpu.memory_space<hbm>>
      tpu.enqueue_dma source(%dma_start3A_50 : memref<128xi32, #tpu.memory_space<hbm>>) target(%arg8 : memref<128xi32, #tpu.memory_space<vmem>>) target_semaphore(%arg16 : memref<!tpu.dma_semaphore, #tpu.memory_space<semaphore_mem>>)
    } else {
    }
    %add3A_7 = arith.constant 32 : i32
    %add3A_8 = arith.addi %add3A_7, %add3A : i32
    %lt3A_9 = arith.constant 2500 : i32
    %lt3A_10 = arith.cmpi slt, %add3A_8, %lt3A_9 : i32
    %convert_element_type3A_11 = arith.extui %lt3A_10 : i1 to i32
    %cond3A_12 = arith.constant 0 : i32
    %cond3A_13 = arith.cmpi ne, %convert_element_type3A_11, %cond3A_12 : i32
    scf.if %cond3A_13 {
      %mul3A_46 = arith.constant 128 : i32
      %mul3A_47 = arith.muli %add3A_8, %mul3A_46 : i32
      %dma_start3A = tpu.memref_slice %arg3[%mul3A_47] : memref<320000xi32, #tpu.memory_space<hbm>> -> memref<128xi32, #tpu.memory_space<hbm>>
      %dma_start3A_48 = tpu.memref_slice %arg3[%mul3A_47] : memref<320000xi32, #tpu.memory_space<hbm>> -> memref<128xi32, #tpu.memory_space<hbm>>
      tpu.enqueue_dma source(%dma_start3A_48 : memref<128xi32, #tpu.memory_space<hbm>>) target(%arg11 : memref<128xi32, #tpu.memory_space<vmem>>) target_semaphore(%arg17 : memref<!tpu.dma_semaphore, #tpu.memory_space<semaphore_mem>>)
      %dma_start3A_49 = tpu.memref_slice %arg4[%mul3A_47] : memref<320000xi32, #tpu.memory_space<hbm>> -> memref<128xi32, #tpu.memory_space<hbm>>
      %dma_start3A_50 = tpu.memref_slice %arg4[%mul3A_47] : memref<320000xi32, #tpu.memory_space<hbm>> -> memref<128xi32, #tpu.memory_space<hbm>>
      tpu.enqueue_dma source(%dma_start3A_50 : memref<128xi32, #tpu.memory_space<hbm>>) target(%arg12 : memref<128xi32, #tpu.memory_space<vmem>>) target_semaphore(%arg17 : memref<!tpu.dma_semaphore, #tpu.memory_space<semaphore_mem>>)
    } else {
    }
    %add3A_14 = arith.constant 0 : i32
    %add3A_15 = arith.addi %add3A_14, %add3A : i32
    %add3A_16 = arith.constant -64 : i32
    %add3A_17 = arith.addi %add3A_16, %add3A : i32
    %lt3A_18 = arith.constant 2500 : i32
    %lt3A_19 = arith.cmpi slt, %add3A_17, %lt3A_18 : i32
    %and3A = arith.constant false
    %and3A_20 = arith.andi %and3A, %lt3A_19 : i1
    %convert_element_type3A_21 = arith.extui %and3A_20 : i1 to i32
    %cond3A_22 = arith.constant 0 : i32
    %cond3A_23 = arith.cmpi ne, %convert_element_type3A_21, %cond3A_22 : i32
    scf.if %cond3A_23 {
      %dma_wait3A = arith.constant 0 : i32
      %dma_wait3A_46 = arith.constant 0 : i32
      %dma_wait3A_47 = tpu.memref_slice %arg15[%dma_wait3A, %dma_wait3A_46] : memref<10112x128xf32, #tpu.memory_space<vmem_shared>> -> memref<10112x128xf32, #tpu.memory_space<vmem_shared>>
      tpu.wait_indirect_dma semaphore(%arg20 : memref<!tpu.dma_semaphore, #tpu.memory_space<semaphore_mem>>) src(%arg10 : memref<128x128xf32, #tpu.memory_space<vmem>>) dst(%dma_wait3A_47 : memref<10112x128xf32, #tpu.memory_space<vmem_shared>>)
    } else {
    }
    %lt3A_24 = arith.constant 2500 : i32
    %lt3A_25 = arith.cmpi slt, %add3A_15, %lt3A_24 : i32
    %convert_element_type3A_26 = arith.extui %lt3A_25 : i1 to i32
    %cond3A_27 = arith.constant 0 : i32
    %cond3A_28 = arith.cmpi ne, %convert_element_type3A_26, %cond3A_27 : i32
    scf.if %cond3A_28 {
      %dma_wait3A = arith.constant 0 : i32
      %dma_wait3A_46 = tpu.memref_slice %arg3[%dma_wait3A] : memref<320000xi32, #tpu.memory_space<hbm>> -> memref<128xi32, #tpu.memory_space<hbm>>
      %dma_wait3A_47 = arith.constant 0 : i32
      %dma_wait3A_48 = tpu.memref_slice %arg3[%dma_wait3A_47] : memref<320000xi32, #tpu.memory_space<hbm>> -> memref<128xi32, #tpu.memory_space<hbm>>
      tpu.wait_dma2 semaphore(%arg16 : memref<!tpu.dma_semaphore, #tpu.memory_space<semaphore_mem>>) src(%dma_wait3A_48 : memref<128xi32, #tpu.memory_space<hbm>>) dst(%arg7 : memref<128xi32, #tpu.memory_space<vmem>>)
      %dma_wait3A_49 = arith.constant 0 : i32
      %dma_wait3A_50 = tpu.memref_slice %arg4[%dma_wait3A_49] : memref<320000xi32, #tpu.memory_space<hbm>> -> memref<128xi32, #tpu.memory_space<hbm>>
      %dma_wait3A_51 = arith.constant 0 : i32
      %dma_wait3A_52 = tpu.memref_slice %arg4[%dma_wait3A_51] : memref<320000xi32, #tpu.memory_space<hbm>> -> memref<128xi32, #tpu.memory_space<hbm>>
      tpu.wait_dma2 semaphore(%arg16 : memref<!tpu.dma_semaphore, #tpu.memory_space<semaphore_mem>>) src(%dma_wait3A_52 : memref<128xi32, #tpu.memory_space<hbm>>) dst(%arg8 : memref<128xi32, #tpu.memory_space<vmem>>)
      %dma_start3A = arith.constant 0 : i32
      %dma_start3A_53 = arith.constant 0 : i32
      %dma_start3A_54 = tpu.memref_slice %arg2[%dma_start3A, %dma_start3A_53] : memref<5120x128xf32, #tpu.memory_space<hbm>> -> memref<5120x128xf32, #tpu.memory_space<hbm>>
      tpu.enqueue_indirect_dma source(%dma_start3A_54 : memref<5120x128xf32, #tpu.memory_space<hbm>>) target(%arg10 : memref<128x128xf32, #tpu.memory_space<vmem>>) offsets(%arg7 : memref<128xi32, #tpu.memory_space<vmem>>) semaphore(%arg18 : memref<!tpu.dma_semaphore, #tpu.memory_space<semaphore_mem>>)
    } else {
    }
    %scan3A = arith.constant 0 : i32
    %scan3A_29 = arith.constant 40 : i32
    %scan3A_30 = arith.addi %scan3A, %scan3A_29 : i32
    %scan3A_31 = arith.constant 1 : i32
    scf.for %scan3A_46 = %scan3A to %scan3A_30 step %scan3A_31  : i32 {
      %mul3A_47 = arith.constant 2 : i32
      %mul3A_48 = arith.muli %scan3A_46, %mul3A_47 : i32
      %add3A_49 = arith.constant 0 : i32
      %add3A_50 = arith.addi %add3A_49, %mul3A_48 : i32
      %add3A_51 = arith.constant 0 : i32
      %add3A_52 = arith.addi %add3A_50, %add3A_51 : i32
      %add3A_53 = arith.constant 2 : i32
      %add3A_54 = arith.addi %add3A_52, %add3A_53 : i32
      %sub3A = arith.constant 1 : i32
      %sub3A_55 = arith.subi %add3A_54, %sub3A : i32
      %mul3A_56 = arith.constant 32 : i32
      %mul3A_57 = arith.muli %sub3A_55, %mul3A_56 : i32
      %add3A_58 = arith.addi %mul3A_57, %add3A : i32
      %sub3A_59 = arith.constant 2 : i32
      %sub3A_60 = arith.subi %sub3A_55, %sub3A_59 : i32
      %mul3A_61 = arith.constant 32 : i32
      %mul3A_62 = arith.muli %sub3A_60, %mul3A_61 : i32
      %add3A_63 = arith.addi %mul3A_62, %add3A : i32
      %ge3A = arith.constant 0 : i32
      %ge3A_64 = arith.cmpi sge, %sub3A_60, %ge3A : i32
      %lt3A_65 = arith.constant 2500 : i32
      %lt3A_66 = arith.cmpi slt, %add3A_63, %lt3A_65 : i32
      %and3A_67 = arith.andi %ge3A_64, %lt3A_66 : i1
      %convert_element_type3A_68 = arith.extui %and3A_67 : i1 to i32
      %cond3A_69 = arith.constant 0 : i32
      %cond3A_70 = arith.cmpi ne, %convert_element_type3A_68, %cond3A_69 : i32
      scf.if %cond3A_70 {
        %dma_wait3A = arith.constant 0 : i32
        %dma_wait3A_147 = arith.constant 0 : i32
        %dma_wait3A_148 = tpu.memref_slice %arg15[%dma_wait3A, %dma_wait3A_147] : memref<10112x128xf32, #tpu.memory_space<vmem_shared>> -> memref<10112x128xf32, #tpu.memory_space<vmem_shared>>
        tpu.wait_indirect_dma semaphore(%arg21 : memref<!tpu.dma_semaphore, #tpu.memory_space<semaphore_mem>>) src(%arg14 : memref<128x128xf32, #tpu.memory_space<vmem>>) dst(%dma_wait3A_148 : memref<10112x128xf32, #tpu.memory_space<vmem_shared>>)
      } else {
      }
      %lt3A_71 = arith.constant 2500 : i32
      %lt3A_72 = arith.cmpi slt, %add3A_58, %lt3A_71 : i32
      %convert_element_type3A_73 = arith.extui %lt3A_72 : i1 to i32
      %cond3A_74 = arith.constant 0 : i32
      %cond3A_75 = arith.cmpi ne, %convert_element_type3A_73, %cond3A_74 : i32
      scf.if %cond3A_75 {
        %dma_wait3A = arith.constant 0 : i32
        %dma_wait3A_147 = tpu.memref_slice %arg3[%dma_wait3A] : memref<320000xi32, #tpu.memory_space<hbm>> -> memref<128xi32, #tpu.memory_space<hbm>>
        %dma_wait3A_148 = arith.constant 0 : i32
        %dma_wait3A_149 = tpu.memref_slice %arg3[%dma_wait3A_148] : memref<320000xi32, #tpu.memory_space<hbm>> -> memref<128xi32, #tpu.memory_space<hbm>>
        tpu.wait_dma2 semaphore(%arg17 : memref<!tpu.dma_semaphore, #tpu.memory_space<semaphore_mem>>) src(%dma_wait3A_149 : memref<128xi32, #tpu.memory_space<hbm>>) dst(%arg11 : memref<128xi32, #tpu.memory_space<vmem>>)
        %dma_wait3A_150 = arith.constant 0 : i32
        %dma_wait3A_151 = tpu.memref_slice %arg4[%dma_wait3A_150] : memref<320000xi32, #tpu.memory_space<hbm>> -> memref<128xi32, #tpu.memory_space<hbm>>
        %dma_wait3A_152 = arith.constant 0 : i32
        %dma_wait3A_153 = tpu.memref_slice %arg4[%dma_wait3A_152] : memref<320000xi32, #tpu.memory_space<hbm>> -> memref<128xi32, #tpu.memory_space<hbm>>
        tpu.wait_dma2 semaphore(%arg17 : memref<!tpu.dma_semaphore, #tpu.memory_space<semaphore_mem>>) src(%dma_wait3A_153 : memref<128xi32, #tpu.memory_space<hbm>>) dst(%arg12 : memref<128xi32, #tpu.memory_space<vmem>>)
        %dma_start3A = arith.constant 0 : i32
        %dma_start3A_154 = arith.constant 0 : i32
        %dma_start3A_155 = tpu.memref_slice %arg2[%dma_start3A, %dma_start3A_154] : memref<5120x128xf32, #tpu.memory_space<hbm>> -> memref<5120x128xf32, #tpu.memory_space<hbm>>
        tpu.enqueue_indirect_dma source(%dma_start3A_155 : memref<5120x128xf32, #tpu.memory_space<hbm>>) target(%arg14 : memref<128x128xf32, #tpu.memory_space<vmem>>) offsets(%arg11 : memref<128xi32, #tpu.memory_space<vmem>>) semaphore(%arg19 : memref<!tpu.dma_semaphore, #tpu.memory_space<semaphore_mem>>)
      } else {
      }
      %add3A_76 = arith.constant 0 : i32
      %add3A_77 = arith.addi %add3A_50, %add3A_76 : i32
      %mul3A_78 = arith.constant 32 : i32
      %mul3A_79 = arith.muli %add3A_77, %mul3A_78 : i32
      %add3A_80 = arith.addi %mul3A_79, %add3A : i32
      %lt3A_81 = arith.constant 2500 : i32
      %lt3A_82 = arith.cmpi slt, %add3A_80, %lt3A_81 : i32
      %convert_element_type3A_83 = arith.extui %lt3A_82 : i1 to i32
      %cond3A_84 = arith.constant 0 : i32
      %cond3A_85 = arith.cmpi ne, %convert_element_type3A_83, %cond3A_84 : i32
      scf.if %cond3A_85 {
        %dma_wait3A = arith.constant 0 : i32
        %dma_wait3A_147 = arith.constant 0 : i32
        %dma_wait3A_148 = tpu.memref_slice %arg2[%dma_wait3A, %dma_wait3A_147] : memref<5120x128xf32, #tpu.memory_space<hbm>> -> memref<5120x128xf32, #tpu.memory_space<hbm>>
        tpu.wait_indirect_dma semaphore(%arg18 : memref<!tpu.dma_semaphore, #tpu.memory_space<semaphore_mem>>) src(%dma_wait3A_148 : memref<5120x128xf32, #tpu.memory_space<hbm>>) dst(%arg10 : memref<128x128xf32, #tpu.memory_space<vmem>>)
        %get3A = arith.constant 0 : index
        %get3A_149 = tpu.vector_load %arg8[%get3A] {strides = array<i32>} : memref<128xi32, #tpu.memory_space<vmem>>, vector<16xi32>,
        %swap3A = arith.constant 0 : index
        %swap3A_150 = tpu.vector_load %arg9[%swap3A] {strides = array<i32>} : memref<128xi32, #tpu.memory_space<vmem>>, vector<16xi32>,
        tpu.vector_store %arg9[%swap3A], %get3A_149 {strides = array<i32>} : memref<128xi32, #tpu.memory_space<vmem>>, vector<16xi32>,
        %get3A_151 = arith.constant 16 : index
        %get3A_152 = tpu.vector_load %arg8[%get3A_151] {strides = array<i32>} : memref<128xi32, #tpu.memory_space<vmem>>, vector<16xi32>,
        %swap3A_153 = arith.constant 16 : index
        %swap3A_154 = tpu.vector_load %arg9[%swap3A_153] {strides = array<i32>} : memref<128xi32, #tpu.memory_space<vmem>>, vector<16xi32>,
        tpu.vector_store %arg9[%swap3A_153], %get3A_152 {strides = array<i32>} : memref<128xi32, #tpu.memory_space<vmem>>, vector<16xi32>,
        %get3A_155 = arith.constant 32 : index
        %get3A_156 = tpu.vector_load %arg8[%get3A_155] {strides = array<i32>} : memref<128xi32, #tpu.memory_space<vmem>>, vector<16xi32>,
        %swap3A_157 = arith.constant 32 : index
        %swap3A_158 = tpu.vector_load %arg9[%swap3A_157] {strides = array<i32>} : memref<128xi32, #tpu.memory_space<vmem>>, vector<16xi32>,
        tpu.vector_store %arg9[%swap3A_157], %get3A_156 {strides = array<i32>} : memref<128xi32, #tpu.memory_space<vmem>>, vector<16xi32>,
        %get3A_159 = arith.constant 48 : index
        %get3A_160 = tpu.vector_load %arg8[%get3A_159] {strides = array<i32>} : memref<128xi32, #tpu.memory_space<vmem>>, vector<16xi32>,
        %swap3A_161 = arith.constant 48 : index
        %swap3A_162 = tpu.vector_load %arg9[%swap3A_161] {strides = array<i32>} : memref<128xi32, #tpu.memory_space<vmem>>, vector<16xi32>,
        tpu.vector_store %arg9[%swap3A_161], %get3A_160 {strides = array<i32>} : memref<128xi32, #tpu.memory_space<vmem>>, vector<16xi32>,
        %get3A_163 = arith.constant 64 : index
        %get3A_164 = tpu.vector_load %arg8[%get3A_163] {strides = array<i32>} : memref<128xi32, #tpu.memory_space<vmem>>, vector<16xi32>,
        %swap3A_165 = arith.constant 64 : index
        %swap3A_166 = tpu.vector_load %arg9[%swap3A_165] {strides = array<i32>} : memref<128xi32, #tpu.memory_space<vmem>>, vector<16xi32>,
        tpu.vector_store %arg9[%swap3A_165], %get3A_164 {strides = array<i32>} : memref<128xi32, #tpu.memory_space<vmem>>, vector<16xi32>,
        %get3A_167 = arith.constant 80 : index
        %get3A_168 = tpu.vector_load %arg8[%get3A_167] {strides = array<i32>} : memref<128xi32, #tpu.memory_space<vmem>>, vector<16xi32>,
        %swap3A_169 = arith.constant 80 : index
        %swap3A_170 = tpu.vector_load %arg9[%swap3A_169] {strides = array<i32>} : memref<128xi32, #tpu.memory_space<vmem>>, vector<16xi32>,
        tpu.vector_store %arg9[%swap3A_169], %get3A_168 {strides = array<i32>} : memref<128xi32, #tpu.memory_space<vmem>>, vector<16xi32>,
        %get3A_171 = arith.constant 96 : index
        %get3A_172 = tpu.vector_load %arg8[%get3A_171] {strides = array<i32>} : memref<128xi32, #tpu.memory_space<vmem>>, vector<16xi32>,
        %swap3A_173 = arith.constant 96 : index
        %swap3A_174 = tpu.vector_load %arg9[%swap3A_173] {strides = array<i32>} : memref<128xi32, #tpu.memory_space<vmem>>, vector<16xi32>,
        tpu.vector_store %arg9[%swap3A_173], %get3A_172 {strides = array<i32>} : memref<128xi32, #tpu.memory_space<vmem>>, vector<16xi32>,
        %get3A_175 = arith.constant 112 : index
        %get3A_176 = tpu.vector_load %arg8[%get3A_175] {strides = array<i32>} : memref<128xi32, #tpu.memory_space<vmem>>, vector<16xi32>,
        %swap3A_177 = arith.constant 112 : index
        %swap3A_178 = tpu.vector_load %arg9[%swap3A_177] {strides = array<i32>} : memref<128xi32, #tpu.memory_space<vmem>>, vector<16xi32>,
        tpu.vector_store %arg9[%swap3A_177], %get3A_176 {strides = array<i32>} : memref<128xi32, #tpu.memory_space<vmem>>, vector<16xi32>,
        %dma_start3A = arith.constant 0 : i32
        %dma_start3A_179 = arith.constant 0 : i32
        %dma_start3A_180 = tpu.memref_slice %arg15[%dma_start3A, %dma_start3A_179] : memref<10112x128xf32, #tpu.memory_space<vmem_shared>> -> memref<10112x128xf32, #tpu.memory_space<vmem_shared>>
        tpu.enqueue_indirect_dma source(%arg10 : memref<128x128xf32, #tpu.memory_space<vmem>>) target(%dma_start3A_180 : memref<10112x128xf32, #tpu.memory_space<vmem_shared>>) offsets(%arg9 : memref<128xi32, #tpu.memory_space<vmem>>) semaphore(%arg20 : memref<!tpu.dma_semaphore, #tpu.memory_space<semaphore_mem>>) {add = true}
      } else {
      }
      %add3A_86 = arith.constant 0 : i32
      %add3A_87 = arith.addi %add3A_50, %add3A_86 : i32
      %add3A_88 = arith.constant 2 : i32
      %add3A_89 = arith.addi %add3A_87, %add3A_88 : i32
      %mul3A_90 = arith.constant 32 : i32
      %mul3A_91 = arith.muli %add3A_89, %mul3A_90 : i32
      %add3A_92 = arith.addi %mul3A_91, %add3A : i32
      %lt3A_93 = arith.constant 2500 : i32
      %lt3A_94 = arith.cmpi slt, %add3A_92, %lt3A_93 : i32
      %convert_element_type3A_95 = arith.extui %lt3A_94 : i1 to i32
      %cond3A_96 = arith.constant 0 : i32
      %cond3A_97 = arith.cmpi ne, %convert_element_type3A_95, %cond3A_96 : i32
      scf.if %cond3A_97 {
        %mul3A_147 = arith.constant 128 : i32
        %mul3A_148 = arith.muli %add3A_92, %mul3A_147 : i32
        %dma_start3A = tpu.memref_slice %arg3[%mul3A_148] : memref<320000xi32, #tpu.memory_space<hbm>> -> memref<128xi32, #tpu.memory_space<hbm>>
        %dma_start3A_149 = tpu.memref_slice %arg3[%mul3A_148] : memref<320000xi32, #tpu.memory_space<hbm>> -> memref<128xi32, #tpu.memory_space<hbm>>
        tpu.enqueue_dma source(%dma_start3A_149 : memref<128xi32, #tpu.memory_space<hbm>>) target(%arg7 : memref<128xi32, #tpu.memory_space<vmem>>) target_semaphore(%arg16 : memref<!tpu.dma_semaphore, #tpu.memory_space<semaphore_mem>>)
        %dma_start3A_150 = tpu.memref_slice %arg4[%mul3A_148] : memref<320000xi32, #tpu.memory_space<hbm>> -> memref<128xi32, #tpu.memory_space<hbm>>
        %dma_start3A_151 = tpu.memref_slice %arg4[%mul3A_148] : memref<320000xi32, #tpu.memory_space<hbm>> -> memref<128xi32, #tpu.memory_space<hbm>>
        tpu.enqueue_dma source(%dma_start3A_151 : memref<128xi32, #tpu.memory_space<hbm>>) target(%arg8 : memref<128xi32, #tpu.memory_space<vmem>>) target_semaphore(%arg16 : memref<!tpu.dma_semaphore, #tpu.memory_space<semaphore_mem>>)
      } else {
      }
      %add3A_98 = arith.constant 1 : i32
      %add3A_99 = arith.addi %add3A_50, %add3A_98 : i32
      %add3A_100 = arith.constant 2 : i32
      %add3A_101 = arith.addi %add3A_99, %add3A_100 : i32
      %sub3A_102 = arith.constant 1 : i32
      %sub3A_103 = arith.subi %add3A_101, %sub3A_102 : i32
      %mul3A_104 = arith.constant 32 : i32
      %mul3A_105 = arith.muli %sub3A_103, %mul3A_104 : i32
      %add3A_106 = arith.addi %mul3A_105, %add3A : i32
      %sub3A_107 = arith.constant 2 : i32
      %sub3A_108 = arith.subi %sub3A_103, %sub3A_107 : i32
      %mul3A_109 = arith.constant 32 : i32
      %mul3A_110 = arith.muli %sub3A_108, %mul3A_109 : i32
      %add3A_111 = arith.addi %mul3A_110, %add3A : i32
      %ge3A_112 = arith.constant 0 : i32
      %ge3A_113 = arith.cmpi sge, %sub3A_108, %ge3A_112 : i32
      %lt3A_114 = arith.constant 2500 : i32
      %lt3A_115 = arith.cmpi slt, %add3A_111, %lt3A_114 : i32
      %and3A_116 = arith.andi %ge3A_113, %lt3A_115 : i1
      %convert_element_type3A_117 = arith.extui %and3A_116 : i1 to i32
      %cond3A_118 = arith.constant 0 : i32
      %cond3A_119 = arith.cmpi ne, %convert_element_type3A_117, %cond3A_118 : i32
      scf.if %cond3A_119 {
        %dma_wait3A = arith.constant 0 : i32
        %dma_wait3A_147 = arith.constant 0 : i32
        %dma_wait3A_148 = tpu.memref_slice %arg15[%dma_wait3A, %dma_wait3A_147] : memref<10112x128xf32, #tpu.memory_space<vmem_shared>> -> memref<10112x128xf32, #tpu.memory_space<vmem_shared>>
        tpu.wait_indirect_dma semaphore(%arg20 : memref<!tpu.dma_semaphore, #tpu.memory_space<semaphore_mem>>) src(%arg10 : memref<128x128xf32, #tpu.memory_space<vmem>>) dst(%dma_wait3A_148 : memref<10112x128xf32, #tpu.memory_space<vmem_shared>>)
      } else {
      }
      %lt3A_120 = arith.constant 2500 : i32
      %lt3A_121 = arith.cmpi slt, %add3A_106, %lt3A_120 : i32
      %convert_element_type3A_122 = arith.extui %lt3A_121 : i1 to i32
      %cond3A_123 = arith.constant 0 : i32
      %cond3A_124 = arith.cmpi ne, %convert_element_type3A_122, %cond3A_123 : i32
      scf.if %cond3A_124 {
        %dma_wait3A = arith.constant 0 : i32
        %dma_wait3A_147 = tpu.memref_slice %arg3[%dma_wait3A] : memref<320000xi32, #tpu.memory_space<hbm>> -> memref<128xi32, #tpu.memory_space<hbm>>
        %dma_wait3A_148 = arith.constant 0 : i32
        %dma_wait3A_149 = tpu.memref_slice %arg3[%dma_wait3A_148] : memref<320000xi32, #tpu.memory_space<hbm>> -> memref<128xi32, #tpu.memory_space<hbm>>
        tpu.wait_dma2 semaphore(%arg16 : memref<!tpu.dma_semaphore, #tpu.memory_space<semaphore_mem>>) src(%dma_wait3A_149 : memref<128xi32, #tpu.memory_space<hbm>>) dst(%arg7 : memref<128xi32, #tpu.memory_space<vmem>>)
        %dma_wait3A_150 = arith.constant 0 : i32
        %dma_wait3A_151 = tpu.memref_slice %arg4[%dma_wait3A_150] : memref<320000xi32, #tpu.memory_space<hbm>> -> memref<128xi32, #tpu.memory_space<hbm>>
        %dma_wait3A_152 = arith.constant 0 : i32
        %dma_wait3A_153 = tpu.memref_slice %arg4[%dma_wait3A_152] : memref<320000xi32, #tpu.memory_space<hbm>> -> memref<128xi32, #tpu.memory_space<hbm>>
        tpu.wait_dma2 semaphore(%arg16 : memref<!tpu.dma_semaphore, #tpu.memory_space<semaphore_mem>>) src(%dma_wait3A_153 : memref<128xi32, #tpu.memory_space<hbm>>) dst(%arg8 : memref<128xi32, #tpu.memory_space<vmem>>)
        %dma_start3A = arith.constant 0 : i32
        %dma_start3A_154 = arith.constant 0 : i32
        %dma_start3A_155 = tpu.memref_slice %arg2[%dma_start3A, %dma_start3A_154] : memref<5120x128xf32, #tpu.memory_space<hbm>> -> memref<5120x128xf32, #tpu.memory_space<hbm>>
        tpu.enqueue_indirect_dma source(%dma_start3A_155 : memref<5120x128xf32, #tpu.memory_space<hbm>>) target(%arg10 : memref<128x128xf32, #tpu.memory_space<vmem>>) offsets(%arg7 : memref<128xi32, #tpu.memory_space<vmem>>) semaphore(%arg18 : memref<!tpu.dma_semaphore, #tpu.memory_space<semaphore_mem>>)
      } else {
      }
      %add3A_125 = arith.constant 1 : i32
      %add3A_126 = arith.addi %add3A_50, %add3A_125 : i32
      %mul3A_127 = arith.constant 32 : i32
      %mul3A_128 = arith.muli %add3A_126, %mul3A_127 : i32
      %add3A_129 = arith.addi %mul3A_128, %add3A : i32
      %lt3A_130 = arith.constant 2500 : i32
      %lt3A_131 = arith.cmpi slt, %add3A_129, %lt3A_130 : i32
      %convert_element_type3A_132 = arith.extui %lt3A_131 : i1 to i32
      %cond3A_133 = arith.constant 0 : i32
      %cond3A_134 = arith.cmpi ne, %convert_element_type3A_132, %cond3A_133 : i32
      scf.if %cond3A_134 {
        %dma_wait3A = arith.constant 0 : i32
        %dma_wait3A_147 = arith.constant 0 : i32
        %dma_wait3A_148 = tpu.memref_slice %arg2[%dma_wait3A, %dma_wait3A_147] : memref<5120x128xf32, #tpu.memory_space<hbm>> -> memref<5120x128xf32, #tpu.memory_space<hbm>>
        tpu.wait_indirect_dma semaphore(%arg19 : memref<!tpu.dma_semaphore, #tpu.memory_space<semaphore_mem>>) src(%dma_wait3A_148 : memref<5120x128xf32, #tpu.memory_space<hbm>>) dst(%arg14 : memref<128x128xf32, #tpu.memory_space<vmem>>)
        %get3A = arith.constant 0 : index
        %get3A_149 = tpu.vector_load %arg12[%get3A] {strides = array<i32>} : memref<128xi32, #tpu.memory_space<vmem>>, vector<16xi32>,
        %swap3A = arith.constant 0 : index
        %swap3A_150 = tpu.vector_load %arg13[%swap3A] {strides = array<i32>} : memref<128xi32, #tpu.memory_space<vmem>>, vector<16xi32>,
        tpu.vector_store %arg13[%swap3A], %get3A_149 {strides = array<i32>} : memref<128xi32, #tpu.memory_space<vmem>>, vector<16xi32>,
        %get3A_151 = arith.constant 16 : index
        %get3A_152 = tpu.vector_load %arg12[%get3A_151] {strides = array<i32>} : memref<128xi32, #tpu.memory_space<vmem>>, vector<16xi32>,
        %swap3A_153 = arith.constant 16 : index
        %swap3A_154 = tpu.vector_load %arg13[%swap3A_153] {strides = array<i32>} : memref<128xi32, #tpu.memory_space<vmem>>, vector<16xi32>,
        tpu.vector_store %arg13[%swap3A_153], %get3A_152 {strides = array<i32>} : memref<128xi32, #tpu.memory_space<vmem>>, vector<16xi32>,
        %get3A_155 = arith.constant 32 : index
        %get3A_156 = tpu.vector_load %arg12[%get3A_155] {strides = array<i32>} : memref<128xi32, #tpu.memory_space<vmem>>, vector<16xi32>,
        %swap3A_157 = arith.constant 32 : index
        %swap3A_158 = tpu.vector_load %arg13[%swap3A_157] {strides = array<i32>} : memref<128xi32, #tpu.memory_space<vmem>>, vector<16xi32>,
        tpu.vector_store %arg13[%swap3A_157], %get3A_156 {strides = array<i32>} : memref<128xi32, #tpu.memory_space<vmem>>, vector<16xi32>,
        %get3A_159 = arith.constant 48 : index
        %get3A_160 = tpu.vector_load %arg12[%get3A_159] {strides = array<i32>} : memref<128xi32, #tpu.memory_space<vmem>>, vector<16xi32>,
        %swap3A_161 = arith.constant 48 : index
        %swap3A_162 = tpu.vector_load %arg13[%swap3A_161] {strides = array<i32>} : memref<128xi32, #tpu.memory_space<vmem>>, vector<16xi32>,
        tpu.vector_store %arg13[%swap3A_161], %get3A_160 {strides = array<i32>} : memref<128xi32, #tpu.memory_space<vmem>>, vector<16xi32>,
        %get3A_163 = arith.constant 64 : index
        %get3A_164 = tpu.vector_load %arg12[%get3A_163] {strides = array<i32>} : memref<128xi32, #tpu.memory_space<vmem>>, vector<16xi32>,
        %swap3A_165 = arith.constant 64 : index
        %swap3A_166 = tpu.vector_load %arg13[%swap3A_165] {strides = array<i32>} : memref<128xi32, #tpu.memory_space<vmem>>, vector<16xi32>,
        tpu.vector_store %arg13[%swap3A_165], %get3A_164 {strides = array<i32>} : memref<128xi32, #tpu.memory_space<vmem>>, vector<16xi32>,
        %get3A_167 = arith.constant 80 : index
        %get3A_168 = tpu.vector_load %arg12[%get3A_167] {strides = array<i32>} : memref<128xi32, #tpu.memory_space<vmem>>, vector<16xi32>,
        %swap3A_169 = arith.constant 80 : index
        %swap3A_170 = tpu.vector_load %arg13[%swap3A_169] {strides = array<i32>} : memref<128xi32, #tpu.memory_space<vmem>>, vector<16xi32>,
        tpu.vector_store %arg13[%swap3A_169], %get3A_168 {strides = array<i32>} : memref<128xi32, #tpu.memory_space<vmem>>, vector<16xi32>,
        %get3A_171 = arith.constant 96 : index
        %get3A_172 = tpu.vector_load %arg12[%get3A_171] {strides = array<i32>} : memref<128xi32, #tpu.memory_space<vmem>>, vector<16xi32>,
        %swap3A_173 = arith.constant 96 : index
        %swap3A_174 = tpu.vector_load %arg13[%swap3A_173] {strides = array<i32>} : memref<128xi32, #tpu.memory_space<vmem>>, vector<16xi32>,
        tpu.vector_store %arg13[%swap3A_173], %get3A_172 {strides = array<i32>} : memref<128xi32, #tpu.memory_space<vmem>>, vector<16xi32>,
        %get3A_175 = arith.constant 112 : index
        %get3A_176 = tpu.vector_load %arg12[%get3A_175] {strides = array<i32>} : memref<128xi32, #tpu.memory_space<vmem>>, vector<16xi32>,
        %swap3A_177 = arith.constant 112 : index
        %swap3A_178 = tpu.vector_load %arg13[%swap3A_177] {strides = array<i32>} : memref<128xi32, #tpu.memory_space<vmem>>, vector<16xi32>,
        tpu.vector_store %arg13[%swap3A_177], %get3A_176 {strides = array<i32>} : memref<128xi32, #tpu.memory_space<vmem>>, vector<16xi32>,
        %dma_start3A = arith.constant 0 : i32
        %dma_start3A_179 = arith.constant 0 : i32
        %dma_start3A_180 = tpu.memref_slice %arg15[%dma_start3A, %dma_start3A_179] : memref<10112x128xf32, #tpu.memory_space<vmem_shared>> -> memref<10112x128xf32, #tpu.memory_space<vmem_shared>>
        tpu.enqueue_indirect_dma source(%arg14 : memref<128x128xf32, #tpu.memory_space<vmem>>) target(%dma_start3A_180 : memref<10112x128xf32, #tpu.memory_space<vmem_shared>>) offsets(%arg13 : memref<128xi32, #tpu.memory_space<vmem>>) semaphore(%arg21 : memref<!tpu.dma_semaphore, #tpu.memory_space<semaphore_mem>>) {add = true}
      } else {
      }
      %add3A_135 = arith.constant 1 : i32
      %add3A_136 = arith.addi %add3A_50, %add3A_135 : i32
      %add3A_137 = arith.constant 2 : i32
      %add3A_138 = arith.addi %add3A_136, %add3A_137 : i32
      %mul3A_139 = arith.constant 32 : i32
      %mul3A_140 = arith.muli %add3A_138, %mul3A_139 : i32
      %add3A_141 = arith.addi %mul3A_140, %add3A : i32
      %lt3A_142 = arith.constant 2500 : i32
      %lt3A_143 = arith.cmpi slt, %add3A_141, %lt3A_142 : i32
      %convert_element_type3A_144 = arith.extui %lt3A_143 : i1 to i32
      %cond3A_145 = arith.constant 0 : i32
      %cond3A_146 = arith.cmpi ne, %convert_element_type3A_144, %cond3A_145 : i32
      scf.if %cond3A_146 {
        %mul3A_147 = arith.constant 128 : i32
        %mul3A_148 = arith.muli %add3A_141, %mul3A_147 : i32
        %dma_start3A = tpu.memref_slice %arg3[%mul3A_148] : memref<320000xi32, #tpu.memory_space<hbm>> -> memref<128xi32, #tpu.memory_space<hbm>>
        %dma_start3A_149 = tpu.memref_slice %arg3[%mul3A_148] : memref<320000xi32, #tpu.memory_space<hbm>> -> memref<128xi32, #tpu.memory_space<hbm>>
        tpu.enqueue_dma source(%dma_start3A_149 : memref<128xi32, #tpu.memory_space<hbm>>) target(%arg11 : memref<128xi32, #tpu.memory_space<vmem>>) target_semaphore(%arg17 : memref<!tpu.dma_semaphore, #tpu.memory_space<semaphore_mem>>)
        %dma_start3A_150 = tpu.memref_slice %arg4[%mul3A_148] : memref<320000xi32, #tpu.memory_space<hbm>> -> memref<128xi32, #tpu.memory_space<hbm>>
        %dma_start3A_151 = tpu.memref_slice %arg4[%mul3A_148] : memref<320000xi32, #tpu.memory_space<hbm>> -> memref<128xi32, #tpu.memory_space<hbm>>
        tpu.enqueue_dma source(%dma_start3A_151 : memref<128xi32, #tpu.memory_space<hbm>>) target(%arg12 : memref<128xi32, #tpu.memory_space<vmem>>) target_semaphore(%arg17 : memref<!tpu.dma_semaphore, #tpu.memory_space<semaphore_mem>>)
      } else {
      }
    }
    %scan3A_32 = arith.constant 40 : i32
    %add3A_33 = arith.constant 2528 : i32
    %add3A_34 = arith.addi %add3A_33, %add3A : i32
    %lt3A_35 = arith.constant 2500 : i32
    %lt3A_36 = arith.cmpi slt, %add3A_34, %lt3A_35 : i32
    %and3A_37 = arith.constant true
    %and3A_38 = arith.andi %and3A_37, %lt3A_36 : i1
    %convert_element_type3A_39 = arith.extui %and3A_38 : i1 to i32
    %cond3A_40 = arith.constant 0 : i32
    %cond3A_41 = arith.cmpi ne, %convert_element_type3A_39, %cond3A_40 : i32
    scf.if %cond3A_41 {
      %dma_wait3A = arith.constant 0 : i32
      %dma_wait3A_46 = arith.constant 0 : i32
      %dma_wait3A_47 = tpu.memref_slice %arg15[%dma_wait3A, %dma_wait3A_46] : memref<10112x128xf32, #tpu.memory_space<vmem_shared>> -> memref<10112x128xf32, #tpu.memory_space<vmem_shared>>
      tpu.wait_indirect_dma semaphore(%arg21 : memref<!tpu.dma_semaphore, #tpu.memory_space<semaphore_mem>>) src(%arg14 : memref<128x128xf32, #tpu.memory_space<vmem>>) dst(%dma_wait3A_47 : memref<10112x128xf32, #tpu.memory_space<vmem_shared>>)
    } else {
    }
    %barrier3A_42 = arith.constant 0 : index
    tpu.barrier barrier_id(%barrier3A_42)
    %mul3A_43 = arith.constant 10112 : i32
    %mul3A_44 = arith.muli %arg0, %mul3A_43 : i32
    %add3A_45 = arith.addi %mul3A_44, %mul3A_2 : i32
    "tpu.region"() ({
      %run_scoped3A = tpu.sem_alloc : memref<!tpu.dma_semaphore, #tpu.memory_space<semaphore_mem>>
      %dma_start3A = arith.constant 0 : i32
      %dma_start3A_46 = tpu.memref_slice %arg6[%add3A_45, %dma_start3A] : memref<20224x128xf32, #tpu.memory_space<hbm>> -> memref<632x128xf32, #tpu.memory_space<hbm>>
      %dma_start3A_47 = arith.constant 0 : i32
      %dma_start3A_48 = tpu.memref_slice %arg15[%mul3A_2, %dma_start3A_47] : memref<10112x128xf32, #tpu.memory_space<vmem_shared>> -> memref<632x128xf32, #tpu.memory_space<vmem_shared>>
      tpu.enqueue_dma source(%dma_start3A_48 : memref<632x128xf32, #tpu.memory_space<vmem_shared>>) target(%dma_start3A_46 : memref<632x128xf32, #tpu.memory_space<hbm>>) target_semaphore(%run_scoped3A : memref<!tpu.dma_semaphore, #tpu.memory_space<semaphore_mem>>)
      %dma_wait3A = arith.constant 0 : i32
      %dma_wait3A_49 = tpu.memref_slice %arg6[%add3A_45, %dma_wait3A] : memref<20224x128xf32, #tpu.memory_space<hbm>> -> memref<632x128xf32, #tpu.memory_space<hbm>>
      %dma_wait3A_50 = arith.constant 0 : i32
      %dma_wait3A_51 = tpu.memref_slice %arg15[%mul3A_2, %dma_wait3A_50] : memref<10112x128xf32, #tpu.memory_space<vmem_shared>> -> memref<632x128xf32, #tpu.memory_space<vmem_shared>>
      tpu.wait_dma2 semaphore(%run_scoped3A : memref<!tpu.dma_semaphore, #tpu.memory_space<semaphore_mem>>) src(%dma_wait3A_51 : memref<632x128xf32, #tpu.memory_space<vmem_shared>>) dst(%dma_wait3A_49 : memref<632x128xf32, #tpu.memory_space<hbm>>)
      tpu.yield
    }) : () -> ()
    return
  }
}

#map = affine_map<(d0, d1) -> (0, 0)>
#map1 = affine_map<(d0, d1) -> (0)>
module attributes {stable_mosaic.version = 14 : i64} {
  func.func @kern(%arg0: i32, %arg1: i32, %arg2: memref<10000x128xf32, #tpu.memory_space<hbm>>, %arg3: memref<320000xi32, #tpu.memory_space<hbm>>, %arg4: memref<320000xi32, #tpu.memory_space<hbm>>, %arg5: memref<5120x128xf32, #tpu.memory_space<hbm>>, %arg6: memref<5120xf32, #tpu.memory_space<hbm>>, %arg7: memref<10240x128xf32, #tpu.memory_space<hbm>>, %arg8: memref<32x5120xf32, #tpu.memory_space<hbm>>, %arg9: memref<128xi32, #tpu.memory_space<vmem>>, %arg10: memref<128xi32, #tpu.memory_space<vmem>>, %arg11: memref<128xi32, #tpu.memory_space<vmem>>, %arg12: memref<128x128xf32, #tpu.memory_space<vmem>>, %arg13: memref<128xi32, #tpu.memory_space<vmem>>, %arg14: memref<128xi32, #tpu.memory_space<vmem>>, %arg15: memref<128xi32, #tpu.memory_space<vmem>>, %arg16: memref<128x128xf32, #tpu.memory_space<vmem>>, %arg17: memref<128xi32, #tpu.memory_space<vmem>>, %arg18: memref<128xi32, #tpu.memory_space<vmem>>, %arg19: memref<128xi32, #tpu.memory_space<vmem>>, %arg20: memref<128x128xf32, #tpu.memory_space<vmem>>, %arg21: memref<5120x128xf32, #tpu.memory_space<vmem_shared>>, %arg22: memref<!tpu.dma_semaphore, #tpu.memory_space<semaphore_mem>>, %arg23: memref<!tpu.dma_semaphore, #tpu.memory_space<semaphore_mem>>, %arg24: memref<!tpu.dma_semaphore, #tpu.memory_space<semaphore_mem>>, %arg25: memref<!tpu.dma_semaphore, #tpu.memory_space<semaphore_mem>>, %arg26: memref<!tpu.dma_semaphore, #tpu.memory_space<semaphore_mem>>, %arg27: memref<!tpu.dma_semaphore, #tpu.memory_space<semaphore_mem>>, %arg28: memref<!tpu.dma_semaphore, #tpu.memory_space<semaphore_mem>>, %arg29: memref<!tpu.dma_semaphore, #tpu.memory_space<semaphore_mem>>, %arg30: memref<!tpu.dma_semaphore, #tpu.memory_space<semaphore_mem>>, %arg31: memref<5120xf32, #tpu.memory_space<vmem>>) attributes {dimension_semantics = [#tpu.dimension_semantics<core_parallel>, #tpu.dimension_semantics<subcore_parallel>], iteration_bounds = array<i64: 2, 16>, scalar_prefetch = 0 : i64, scratch_operands = 23 : i64, tpu.core_type = #tpu.core_type<sc_vector_subcore>, window_params = [{transform_indices = #map}, {transform_indices = #map1}, {transform_indices = #map1}, {transform_indices = #map}, {transform_indices = #map1}, {transform_indices = #map}, {transform_indices = #map}]} {
    %mul3A = arith.constant 2 : i32
    %mul3A_0 = arith.muli %arg1, %mul3A : i32
    %add3A = arith.addi %mul3A_0, %arg0 : i32
    %mul3A_1 = arith.constant 320 : i32
    %mul3A_2 = arith.muli %arg1, %mul3A_1 : i32
    "tpu.region"() ({
      %run_scoped3A = tpu.sem_alloc : memref<!tpu.dma_semaphore, #tpu.memory_space<semaphore_mem>>
      %dma_start3A = arith.constant 0 : i32
      %dma_start3A_69 = tpu.memref_slice %arg21[%mul3A_2, %dma_start3A] : memref<5120x128xf32, #tpu.memory_space<vmem_shared>> -> memref<320x128xf32, #tpu.memory_space<vmem_shared>>
      %dma_start3A_70 = arith.constant 0 : i32
      %dma_start3A_71 = tpu.memref_slice %arg5[%mul3A_2, %dma_start3A_70] : memref<5120x128xf32, #tpu.memory_space<hbm>> -> memref<320x128xf32, #tpu.memory_space<hbm>>
      tpu.enqueue_dma source(%dma_start3A_71 : memref<320x128xf32, #tpu.memory_space<hbm>>) target(%dma_start3A_69 : memref<320x128xf32, #tpu.memory_space<vmem_shared>>) target_semaphore(%run_scoped3A : memref<!tpu.dma_semaphore, #tpu.memory_space<semaphore_mem>>)
      %dma_wait3A = arith.constant 0 : i32
      %dma_wait3A_72 = tpu.memref_slice %arg21[%mul3A_2, %dma_wait3A] : memref<5120x128xf32, #tpu.memory_space<vmem_shared>> -> memref<320x128xf32, #tpu.memory_space<vmem_shared>>
      %dma_wait3A_73 = arith.constant 0 : i32
      %dma_wait3A_74 = tpu.memref_slice %arg5[%mul3A_2, %dma_wait3A_73] : memref<5120x128xf32, #tpu.memory_space<hbm>> -> memref<320x128xf32, #tpu.memory_space<hbm>>
      tpu.wait_dma2 semaphore(%run_scoped3A : memref<!tpu.dma_semaphore, #tpu.memory_space<semaphore_mem>>) src(%dma_wait3A_74 : memref<320x128xf32, #tpu.memory_space<hbm>>) dst(%dma_wait3A_72 : memref<320x128xf32, #tpu.memory_space<vmem_shared>>)
      tpu.yield
    }) : () -> ()
    "tpu.region"() ({
      %run_scoped3A = tpu.sem_alloc : memref<!tpu.dma_semaphore, #tpu.memory_space<semaphore_mem>>
      tpu.enqueue_dma source(%arg6 : memref<5120xf32, #tpu.memory_space<hbm>>) target(%arg31 : memref<5120xf32, #tpu.memory_space<vmem>>) target_semaphore(%run_scoped3A : memref<!tpu.dma_semaphore, #tpu.memory_space<semaphore_mem>>)
      tpu.wait_dma2 semaphore(%run_scoped3A : memref<!tpu.dma_semaphore, #tpu.memory_space<semaphore_mem>>) src(%arg6 : memref<5120xf32, #tpu.memory_space<hbm>>) dst(%arg31 : memref<5120xf32, #tpu.memory_space<vmem>>)
      tpu.yield
    }) : () -> ()
    %barrier3A = arith.constant 0 : index
    tpu.barrier barrier_id(%barrier3A)
    %add3A_3 = arith.constant 0 : i32
    %add3A_4 = arith.addi %add3A_3, %add3A : i32
    %lt3A = arith.constant 2500 : i32
    %lt3A_5 = arith.cmpi slt, %add3A_4, %lt3A : i32
    %convert_element_type3A = arith.extui %lt3A_5 : i1 to i32
    %cond3A = arith.constant 0 : i32
    %cond3A_6 = arith.cmpi ne, %convert_element_type3A, %cond3A : i32
    scf.if %cond3A_6 {
      %mul3A_69 = arith.constant 128 : i32
      %mul3A_70 = arith.muli %add3A_4, %mul3A_69 : i32
      %dma_start3A = tpu.memref_slice %arg3[%mul3A_70] : memref<320000xi32, #tpu.memory_space<hbm>> -> memref<128xi32, #tpu.memory_space<hbm>>
      %dma_start3A_71 = tpu.memref_slice %arg3[%mul3A_70] : memref<320000xi32, #tpu.memory_space<hbm>> -> memref<128xi32, #tpu.memory_space<hbm>>
      tpu.enqueue_dma source(%dma_start3A_71 : memref<128xi32, #tpu.memory_space<hbm>>) target(%arg9 : memref<128xi32, #tpu.memory_space<vmem>>) target_semaphore(%arg22 : memref<!tpu.dma_semaphore, #tpu.memory_space<semaphore_mem>>)
      %dma_start3A_72 = tpu.memref_slice %arg4[%mul3A_70] : memref<320000xi32, #tpu.memory_space<hbm>> -> memref<128xi32, #tpu.memory_space<hbm>>
      %dma_start3A_73 = tpu.memref_slice %arg4[%mul3A_70] : memref<320000xi32, #tpu.memory_space<hbm>> -> memref<128xi32, #tpu.memory_space<hbm>>
      tpu.enqueue_dma source(%dma_start3A_73 : memref<128xi32, #tpu.memory_space<hbm>>) target(%arg10 : memref<128xi32, #tpu.memory_space<vmem>>) target_semaphore(%arg22 : memref<!tpu.dma_semaphore, #tpu.memory_space<semaphore_mem>>)
    } else {
    }
    %add3A_7 = arith.constant 32 : i32
    %add3A_8 = arith.addi %add3A_7, %add3A : i32
    %lt3A_9 = arith.constant 2500 : i32
    %lt3A_10 = arith.cmpi slt, %add3A_8, %lt3A_9 : i32
    %convert_element_type3A_11 = arith.extui %lt3A_10 : i1 to i32
    %cond3A_12 = arith.constant 0 : i32
    %cond3A_13 = arith.cmpi ne, %convert_element_type3A_11, %cond3A_12 : i32
    scf.if %cond3A_13 {
      %mul3A_69 = arith.constant 128 : i32
      %mul3A_70 = arith.muli %add3A_8, %mul3A_69 : i32
      %dma_start3A = tpu.memref_slice %arg3[%mul3A_70] : memref<320000xi32, #tpu.memory_space<hbm>> -> memref<128xi32, #tpu.memory_space<hbm>>
      %dma_start3A_71 = tpu.memref_slice %arg3[%mul3A_70] : memref<320000xi32, #tpu.memory_space<hbm>> -> memref<128xi32, #tpu.memory_space<hbm>>
      tpu.enqueue_dma source(%dma_start3A_71 : memref<128xi32, #tpu.memory_space<hbm>>) target(%arg13 : memref<128xi32, #tpu.memory_space<vmem>>) target_semaphore(%arg23 : memref<!tpu.dma_semaphore, #tpu.memory_space<semaphore_mem>>)
      %dma_start3A_72 = tpu.memref_slice %arg4[%mul3A_70] : memref<320000xi32, #tpu.memory_space<hbm>> -> memref<128xi32, #tpu.memory_space<hbm>>
      %dma_start3A_73 = tpu.memref_slice %arg4[%mul3A_70] : memref<320000xi32, #tpu.memory_space<hbm>> -> memref<128xi32, #tpu.memory_space<hbm>>
      tpu.enqueue_dma source(%dma_start3A_73 : memref<128xi32, #tpu.memory_space<hbm>>) target(%arg14 : memref<128xi32, #tpu.memory_space<vmem>>) target_semaphore(%arg23 : memref<!tpu.dma_semaphore, #tpu.memory_space<semaphore_mem>>)
    } else {
    }
    %add3A_14 = arith.constant 64 : i32
    %add3A_15 = arith.addi %add3A_14, %add3A : i32
    %lt3A_16 = arith.constant 2500 : i32
    %lt3A_17 = arith.cmpi slt, %add3A_15, %lt3A_16 : i32
    %convert_element_type3A_18 = arith.extui %lt3A_17 : i1 to i32
    %cond3A_19 = arith.constant 0 : i32
    %cond3A_20 = arith.cmpi ne, %convert_element_type3A_18, %cond3A_19 : i32
    scf.if %cond3A_20 {
      %mul3A_69 = arith.constant 128 : i32
      %mul3A_70 = arith.muli %add3A_15, %mul3A_69 : i32
      %dma_start3A = tpu.memref_slice %arg3[%mul3A_70] : memref<320000xi32, #tpu.memory_space<hbm>> -> memref<128xi32, #tpu.memory_space<hbm>>
      %dma_start3A_71 = tpu.memref_slice %arg3[%mul3A_70] : memref<320000xi32, #tpu.memory_space<hbm>> -> memref<128xi32, #tpu.memory_space<hbm>>
      tpu.enqueue_dma source(%dma_start3A_71 : memref<128xi32, #tpu.memory_space<hbm>>) target(%arg17 : memref<128xi32, #tpu.memory_space<vmem>>) target_semaphore(%arg24 : memref<!tpu.dma_semaphore, #tpu.memory_space<semaphore_mem>>)
      %dma_start3A_72 = tpu.memref_slice %arg4[%mul3A_70] : memref<320000xi32, #tpu.memory_space<hbm>> -> memref<128xi32, #tpu.memory_space<hbm>>
      %dma_start3A_73 = tpu.memref_slice %arg4[%mul3A_70] : memref<320000xi32, #tpu.memory_space<hbm>> -> memref<128xi32, #tpu.memory_space<hbm>>
      tpu.enqueue_dma source(%dma_start3A_73 : memref<128xi32, #tpu.memory_space<hbm>>) target(%arg18 : memref<128xi32, #tpu.memory_space<vmem>>) target_semaphore(%arg24 : memref<!tpu.dma_semaphore, #tpu.memory_space<semaphore_mem>>)
    } else {
    }
    %add3A_21 = arith.constant 0 : i32
    %add3A_22 = arith.addi %add3A_21, %add3A : i32
    %add3A_23 = arith.constant -96 : i32
    %add3A_24 = arith.addi %add3A_23, %add3A : i32
    %lt3A_25 = arith.constant 2500 : i32
    %lt3A_26 = arith.cmpi slt, %add3A_24, %lt3A_25 : i32
    %and3A = arith.constant false
    %and3A_27 = arith.andi %and3A, %lt3A_26 : i1
    %convert_element_type3A_28 = arith.extui %and3A_27 : i1 to i32
    %cond3A_29 = arith.constant 0 : i32
    %cond3A_30 = arith.cmpi ne, %convert_element_type3A_28, %cond3A_29 : i32
    scf.if %cond3A_30 {
      %dma_wait3A = arith.constant 0 : i32
      %dma_wait3A_69 = arith.constant 0 : i32
      %dma_wait3A_70 = tpu.memref_slice %arg21[%dma_wait3A, %dma_wait3A_69] : memref<5120x128xf32, #tpu.memory_space<vmem_shared>> -> memref<5120x128xf32, #tpu.memory_space<vmem_shared>>
      tpu.wait_indirect_dma semaphore(%arg28 : memref<!tpu.dma_semaphore, #tpu.memory_space<semaphore_mem>>) src(%arg12 : memref<128x128xf32, #tpu.memory_space<vmem>>) dst(%dma_wait3A_70 : memref<5120x128xf32, #tpu.memory_space<vmem_shared>>)
    } else {
    }
    %lt3A_31 = arith.constant 2500 : i32
    %lt3A_32 = arith.cmpi slt, %add3A_22, %lt3A_31 : i32
    %convert_element_type3A_33 = arith.extui %lt3A_32 : i1 to i32
    %cond3A_34 = arith.constant 0 : i32
    %cond3A_35 = arith.cmpi ne, %convert_element_type3A_33, %cond3A_34 : i32
    scf.if %cond3A_35 {
      %dma_wait3A = arith.constant 0 : i32
      %dma_wait3A_69 = tpu.memref_slice %arg3[%dma_wait3A] : memref<320000xi32, #tpu.memory_space<hbm>> -> memref<128xi32, #tpu.memory_space<hbm>>
      %dma_wait3A_70 = arith.constant 0 : i32
      %dma_wait3A_71 = tpu.memref_slice %arg3[%dma_wait3A_70] : memref<320000xi32, #tpu.memory_space<hbm>> -> memref<128xi32, #tpu.memory_space<hbm>>
      tpu.wait_dma2 semaphore(%arg22 : memref<!tpu.dma_semaphore, #tpu.memory_space<semaphore_mem>>) src(%dma_wait3A_71 : memref<128xi32, #tpu.memory_space<hbm>>) dst(%arg9 : memref<128xi32, #tpu.memory_space<vmem>>)
      %dma_wait3A_72 = arith.constant 0 : i32
      %dma_wait3A_73 = tpu.memref_slice %arg4[%dma_wait3A_72] : memref<320000xi32, #tpu.memory_space<hbm>> -> memref<128xi32, #tpu.memory_space<hbm>>
      %dma_wait3A_74 = arith.constant 0 : i32
      %dma_wait3A_75 = tpu.memref_slice %arg4[%dma_wait3A_74] : memref<320000xi32, #tpu.memory_space<hbm>> -> memref<128xi32, #tpu.memory_space<hbm>>
      tpu.wait_dma2 semaphore(%arg22 : memref<!tpu.dma_semaphore, #tpu.memory_space<semaphore_mem>>) src(%dma_wait3A_75 : memref<128xi32, #tpu.memory_space<hbm>>) dst(%arg10 : memref<128xi32, #tpu.memory_space<vmem>>)
      %dma_start3A = arith.constant 0 : i32
      %dma_start3A_76 = arith.constant 0 : i32
      %dma_start3A_77 = tpu.memref_slice %arg2[%dma_start3A, %dma_start3A_76] : memref<10000x128xf32, #tpu.memory_space<hbm>> -> memref<10000x128xf32, #tpu.memory_space<hbm>>
      tpu.enqueue_indirect_dma source(%dma_start3A_77 : memref<10000x128xf32, #tpu.memory_space<hbm>>) target(%arg12 : memref<128x128xf32, #tpu.memory_space<vmem>>) offsets(%arg9 : memref<128xi32, #tpu.memory_space<vmem>>) semaphore(%arg25 : memref<!tpu.dma_semaphore, #tpu.memory_space<semaphore_mem>>)
    } else {
    }
    %add3A_36 = arith.constant 32 : i32
    %add3A_37 = arith.addi %add3A_36, %add3A : i32
    %add3A_38 = arith.constant -64 : i32
    %add3A_39 = arith.addi %add3A_38, %add3A : i32
    %lt3A_40 = arith.constant 2500 : i32
    %lt3A_41 = arith.cmpi slt, %add3A_39, %lt3A_40 : i32
    %and3A_42 = arith.constant false
    %and3A_43 = arith.andi %and3A_42, %lt3A_41 : i1
    %convert_element_type3A_44 = arith.extui %and3A_43 : i1 to i32
    %cond3A_45 = arith.constant 0 : i32
    %cond3A_46 = arith.cmpi ne, %convert_element_type3A_44, %cond3A_45 : i32
    scf.if %cond3A_46 {
      %dma_wait3A = arith.constant 0 : i32
      %dma_wait3A_69 = arith.constant 0 : i32
      %dma_wait3A_70 = tpu.memref_slice %arg21[%dma_wait3A, %dma_wait3A_69] : memref<5120x128xf32, #tpu.memory_space<vmem_shared>> -> memref<5120x128xf32, #tpu.memory_space<vmem_shared>>
      tpu.wait_indirect_dma semaphore(%arg29 : memref<!tpu.dma_semaphore, #tpu.memory_space<semaphore_mem>>) src(%arg16 : memref<128x128xf32, #tpu.memory_space<vmem>>) dst(%dma_wait3A_70 : memref<5120x128xf32, #tpu.memory_space<vmem_shared>>)
    } else {
    }
    %lt3A_47 = arith.constant 2500 : i32
    %lt3A_48 = arith.cmpi slt, %add3A_37, %lt3A_47 : i32
    %convert_element_type3A_49 = arith.extui %lt3A_48 : i1 to i32
    %cond3A_50 = arith.constant 0 : i32
    %cond3A_51 = arith.cmpi ne, %convert_element_type3A_49, %cond3A_50 : i32
    scf.if %cond3A_51 {
      %dma_wait3A = arith.constant 0 : i32
      %dma_wait3A_69 = tpu.memref_slice %arg3[%dma_wait3A] : memref<320000xi32, #tpu.memory_space<hbm>> -> memref<128xi32, #tpu.memory_space<hbm>>
      %dma_wait3A_70 = arith.constant 0 : i32
      %dma_wait3A_71 = tpu.memref_slice %arg3[%dma_wait3A_70] : memref<320000xi32, #tpu.memory_space<hbm>> -> memref<128xi32, #tpu.memory_space<hbm>>
      tpu.wait_dma2 semaphore(%arg23 : memref<!tpu.dma_semaphore, #tpu.memory_space<semaphore_mem>>) src(%dma_wait3A_71 : memref<128xi32, #tpu.memory_space<hbm>>) dst(%arg13 : memref<128xi32, #tpu.memory_space<vmem>>)
      %dma_wait3A_72 = arith.constant 0 : i32
      %dma_wait3A_73 = tpu.memref_slice %arg4[%dma_wait3A_72] : memref<320000xi32, #tpu.memory_space<hbm>> -> memref<128xi32, #tpu.memory_space<hbm>>
      %dma_wait3A_74 = arith.constant 0 : i32
      %dma_wait3A_75 = tpu.memref_slice %arg4[%dma_wait3A_74] : memref<320000xi32, #tpu.memory_space<hbm>> -> memref<128xi32, #tpu.memory_space<hbm>>
      tpu.wait_dma2 semaphore(%arg23 : memref<!tpu.dma_semaphore, #tpu.memory_space<semaphore_mem>>) src(%dma_wait3A_75 : memref<128xi32, #tpu.memory_space<hbm>>) dst(%arg14 : memref<128xi32, #tpu.memory_space<vmem>>)
      %dma_start3A = arith.constant 0 : i32
      %dma_start3A_76 = arith.constant 0 : i32
      %dma_start3A_77 = tpu.memref_slice %arg2[%dma_start3A, %dma_start3A_76] : memref<10000x128xf32, #tpu.memory_space<hbm>> -> memref<10000x128xf32, #tpu.memory_space<hbm>>
      tpu.enqueue_indirect_dma source(%dma_start3A_77 : memref<10000x128xf32, #tpu.memory_space<hbm>>) target(%arg16 : memref<128x128xf32, #tpu.memory_space<vmem>>) offsets(%arg13 : memref<128xi32, #tpu.memory_space<vmem>>) semaphore(%arg26 : memref<!tpu.dma_semaphore, #tpu.memory_space<semaphore_mem>>)
    } else {
    }
    %scan3A = arith.constant 0 : i32
    %scan3A_52 = arith.constant 27 : i32
    %scan3A_53 = arith.addi %scan3A, %scan3A_52 : i32
    %scan3A_54 = arith.constant 1 : i32
    scf.for %scan3A_69 = %scan3A to %scan3A_53 step %scan3A_54  : i32 {
      %mul3A_70 = arith.constant 3 : i32
      %mul3A_71 = arith.muli %scan3A_69, %mul3A_70 : i32
      %add3A_72 = arith.constant 0 : i32
      %add3A_73 = arith.addi %add3A_72, %mul3A_71 : i32
      %add3A_74 = arith.constant 0 : i32
      %add3A_75 = arith.addi %add3A_73, %add3A_74 : i32
      %add3A_76 = arith.constant 3 : i32
      %add3A_77 = arith.addi %add3A_75, %add3A_76 : i32
      %sub3A = arith.constant 1 : i32
      %sub3A_78 = arith.subi %add3A_77, %sub3A : i32
      %mul3A_79 = arith.constant 32 : i32
      %mul3A_80 = arith.muli %sub3A_78, %mul3A_79 : i32
      %add3A_81 = arith.addi %mul3A_80, %add3A : i32
      %sub3A_82 = arith.constant 3 : i32
      %sub3A_83 = arith.subi %sub3A_78, %sub3A_82 : i32
      %mul3A_84 = arith.constant 32 : i32
      %mul3A_85 = arith.muli %sub3A_83, %mul3A_84 : i32
      %add3A_86 = arith.addi %mul3A_85, %add3A : i32
      %ge3A = arith.constant 0 : i32
      %ge3A_87 = arith.cmpi sge, %sub3A_83, %ge3A : i32
      %lt3A_88 = arith.constant 2500 : i32
      %lt3A_89 = arith.cmpi slt, %add3A_86, %lt3A_88 : i32
      %and3A_90 = arith.andi %ge3A_87, %lt3A_89 : i1
      %convert_element_type3A_91 = arith.extui %and3A_90 : i1 to i32
      %cond3A_92 = arith.constant 0 : i32
      %cond3A_93 = arith.cmpi ne, %convert_element_type3A_91, %cond3A_92 : i32
      scf.if %cond3A_93 {
        %dma_wait3A = arith.constant 0 : i32
        %dma_wait3A_219 = arith.constant 0 : i32
        %dma_wait3A_220 = tpu.memref_slice %arg21[%dma_wait3A, %dma_wait3A_219] : memref<5120x128xf32, #tpu.memory_space<vmem_shared>> -> memref<5120x128xf32, #tpu.memory_space<vmem_shared>>
        tpu.wait_indirect_dma semaphore(%arg30 : memref<!tpu.dma_semaphore, #tpu.memory_space<semaphore_mem>>) src(%arg20 : memref<128x128xf32, #tpu.memory_space<vmem>>) dst(%dma_wait3A_220 : memref<5120x128xf32, #tpu.memory_space<vmem_shared>>)
      } else {
      }
      %lt3A_94 = arith.constant 2500 : i32
      %lt3A_95 = arith.cmpi slt, %add3A_81, %lt3A_94 : i32
      %convert_element_type3A_96 = arith.extui %lt3A_95 : i1 to i32
      %cond3A_97 = arith.constant 0 : i32
      %cond3A_98 = arith.cmpi ne, %convert_element_type3A_96, %cond3A_97 : i32
      scf.if %cond3A_98 {
        %dma_wait3A = arith.constant 0 : i32
        %dma_wait3A_219 = tpu.memref_slice %arg3[%dma_wait3A] : memref<320000xi32, #tpu.memory_space<hbm>> -> memref<128xi32, #tpu.memory_space<hbm>>
        %dma_wait3A_220 = arith.constant 0 : i32
        %dma_wait3A_221 = tpu.memref_slice %arg3[%dma_wait3A_220] : memref<320000xi32, #tpu.memory_space<hbm>> -> memref<128xi32, #tpu.memory_space<hbm>>
        tpu.wait_dma2 semaphore(%arg24 : memref<!tpu.dma_semaphore, #tpu.memory_space<semaphore_mem>>) src(%dma_wait3A_221 : memref<128xi32, #tpu.memory_space<hbm>>) dst(%arg17 : memref<128xi32, #tpu.memory_space<vmem>>)
        %dma_wait3A_222 = arith.constant 0 : i32
        %dma_wait3A_223 = tpu.memref_slice %arg4[%dma_wait3A_222] : memref<320000xi32, #tpu.memory_space<hbm>> -> memref<128xi32, #tpu.memory_space<hbm>>
        %dma_wait3A_224 = arith.constant 0 : i32
        %dma_wait3A_225 = tpu.memref_slice %arg4[%dma_wait3A_224] : memref<320000xi32, #tpu.memory_space<hbm>> -> memref<128xi32, #tpu.memory_space<hbm>>
        tpu.wait_dma2 semaphore(%arg24 : memref<!tpu.dma_semaphore, #tpu.memory_space<semaphore_mem>>) src(%dma_wait3A_225 : memref<128xi32, #tpu.memory_space<hbm>>) dst(%arg18 : memref<128xi32, #tpu.memory_space<vmem>>)
        %dma_start3A = arith.constant 0 : i32
        %dma_start3A_226 = arith.constant 0 : i32
        %dma_start3A_227 = tpu.memref_slice %arg2[%dma_start3A, %dma_start3A_226] : memref<10000x128xf32, #tpu.memory_space<hbm>> -> memref<10000x128xf32, #tpu.memory_space<hbm>>
        tpu.enqueue_indirect_dma source(%dma_start3A_227 : memref<10000x128xf32, #tpu.memory_space<hbm>>) target(%arg20 : memref<128x128xf32, #tpu.memory_space<vmem>>) offsets(%arg17 : memref<128xi32, #tpu.memory_space<vmem>>) semaphore(%arg27 : memref<!tpu.dma_semaphore, #tpu.memory_space<semaphore_mem>>)
      } else {
      }
      %add3A_99 = arith.constant 0 : i32
      %add3A_100 = arith.addi %add3A_73, %add3A_99 : i32
      %mul3A_101 = arith.constant 32 : i32
      %mul3A_102 = arith.muli %add3A_100, %mul3A_101 : i32
      %add3A_103 = arith.addi %mul3A_102, %add3A : i32
      %lt3A_104 = arith.constant 2500 : i32
      %lt3A_105 = arith.cmpi slt, %add3A_103, %lt3A_104 : i32
      %convert_element_type3A_106 = arith.extui %lt3A_105 : i1 to i32
      %cond3A_107 = arith.constant 0 : i32
      %cond3A_108 = arith.cmpi ne, %convert_element_type3A_106, %cond3A_107 : i32
      scf.if %cond3A_108 {
        %dma_wait3A = arith.constant 0 : i32
        %dma_wait3A_219 = arith.constant 0 : i32
        %dma_wait3A_220 = tpu.memref_slice %arg2[%dma_wait3A, %dma_wait3A_219] : memref<10000x128xf32, #tpu.memory_space<hbm>> -> memref<10000x128xf32, #tpu.memory_space<hbm>>
        tpu.wait_indirect_dma semaphore(%arg25 : memref<!tpu.dma_semaphore, #tpu.memory_space<semaphore_mem>>) src(%dma_wait3A_220 : memref<10000x128xf32, #tpu.memory_space<hbm>>) dst(%arg12 : memref<128x128xf32, #tpu.memory_space<vmem>>)
        %get3A = arith.constant 0 : index
        %get3A_221 = tpu.vector_load %arg10[%get3A] {strides = array<i32>} : memref<128xi32, #tpu.memory_space<vmem>>, vector<16xi32>,
        %swap3A = arith.constant 0 : index
        %swap3A_222 = tpu.vector_load %arg11[%swap3A] {strides = array<i32>} : memref<128xi32, #tpu.memory_space<vmem>>, vector<16xi32>,
        tpu.vector_store %arg11[%swap3A], %get3A_221 {strides = array<i32>} : memref<128xi32, #tpu.memory_space<vmem>>, vector<16xi32>,
        %get3A_223 = arith.constant 16 : index
        %get3A_224 = tpu.vector_load %arg10[%get3A_223] {strides = array<i32>} : memref<128xi32, #tpu.memory_space<vmem>>, vector<16xi32>,
        %swap3A_225 = arith.constant 16 : index
        %swap3A_226 = tpu.vector_load %arg11[%swap3A_225] {strides = array<i32>} : memref<128xi32, #tpu.memory_space<vmem>>, vector<16xi32>,
        tpu.vector_store %arg11[%swap3A_225], %get3A_224 {strides = array<i32>} : memref<128xi32, #tpu.memory_space<vmem>>, vector<16xi32>,
        %get3A_227 = arith.constant 32 : index
        %get3A_228 = tpu.vector_load %arg10[%get3A_227] {strides = array<i32>} : memref<128xi32, #tpu.memory_space<vmem>>, vector<16xi32>,
        %swap3A_229 = arith.constant 32 : index
        %swap3A_230 = tpu.vector_load %arg11[%swap3A_229] {strides = array<i32>} : memref<128xi32, #tpu.memory_space<vmem>>, vector<16xi32>,
        tpu.vector_store %arg11[%swap3A_229], %get3A_228 {strides = array<i32>} : memref<128xi32, #tpu.memory_space<vmem>>, vector<16xi32>,
        %get3A_231 = arith.constant 48 : index
        %get3A_232 = tpu.vector_load %arg10[%get3A_231] {strides = array<i32>} : memref<128xi32, #tpu.memory_space<vmem>>, vector<16xi32>,
        %swap3A_233 = arith.constant 48 : index
        %swap3A_234 = tpu.vector_load %arg11[%swap3A_233] {strides = array<i32>} : memref<128xi32, #tpu.memory_space<vmem>>, vector<16xi32>,
        tpu.vector_store %arg11[%swap3A_233], %get3A_232 {strides = array<i32>} : memref<128xi32, #tpu.memory_space<vmem>>, vector<16xi32>,
        %get3A_235 = arith.constant 64 : index
        %get3A_236 = tpu.vector_load %arg10[%get3A_235] {strides = array<i32>} : memref<128xi32, #tpu.memory_space<vmem>>, vector<16xi32>,
        %swap3A_237 = arith.constant 64 : index
        %swap3A_238 = tpu.vector_load %arg11[%swap3A_237] {strides = array<i32>} : memref<128xi32, #tpu.memory_space<vmem>>, vector<16xi32>,
        tpu.vector_store %arg11[%swap3A_237], %get3A_236 {strides = array<i32>} : memref<128xi32, #tpu.memory_space<vmem>>, vector<16xi32>,
        %get3A_239 = arith.constant 80 : index
        %get3A_240 = tpu.vector_load %arg10[%get3A_239] {strides = array<i32>} : memref<128xi32, #tpu.memory_space<vmem>>, vector<16xi32>,
        %swap3A_241 = arith.constant 80 : index
        %swap3A_242 = tpu.vector_load %arg11[%swap3A_241] {strides = array<i32>} : memref<128xi32, #tpu.memory_space<vmem>>, vector<16xi32>,
        tpu.vector_store %arg11[%swap3A_241], %get3A_240 {strides = array<i32>} : memref<128xi32, #tpu.memory_space<vmem>>, vector<16xi32>,
        %get3A_243 = arith.constant 96 : index
        %get3A_244 = tpu.vector_load %arg10[%get3A_243] {strides = array<i32>} : memref<128xi32, #tpu.memory_space<vmem>>, vector<16xi32>,
        %swap3A_245 = arith.constant 96 : index
        %swap3A_246 = tpu.vector_load %arg11[%swap3A_245] {strides = array<i32>} : memref<128xi32, #tpu.memory_space<vmem>>, vector<16xi32>,
        tpu.vector_store %arg11[%swap3A_245], %get3A_244 {strides = array<i32>} : memref<128xi32, #tpu.memory_space<vmem>>, vector<16xi32>,
        %get3A_247 = arith.constant 112 : index
        %get3A_248 = tpu.vector_load %arg10[%get3A_247] {strides = array<i32>} : memref<128xi32, #tpu.memory_space<vmem>>, vector<16xi32>,
        %swap3A_249 = arith.constant 112 : index
        %swap3A_250 = tpu.vector_load %arg11[%swap3A_249] {strides = array<i32>} : memref<128xi32, #tpu.memory_space<vmem>>, vector<16xi32>,
        tpu.vector_store %arg11[%swap3A_249], %get3A_248 {strides = array<i32>} : memref<128xi32, #tpu.memory_space<vmem>>, vector<16xi32>,
        %dma_start3A = arith.constant 0 : i32
        %dma_start3A_251 = arith.constant 0 : i32
        %dma_start3A_252 = tpu.memref_slice %arg21[%dma_start3A, %dma_start3A_251] : memref<5120x128xf32, #tpu.memory_space<vmem_shared>> -> memref<5120x128xf32, #tpu.memory_space<vmem_shared>>
        tpu.enqueue_indirect_dma source(%arg12 : memref<128x128xf32, #tpu.memory_space<vmem>>) target(%dma_start3A_252 : memref<5120x128xf32, #tpu.memory_space<vmem_shared>>) offsets(%arg11 : memref<128xi32, #tpu.memory_space<vmem>>) semaphore(%arg28 : memref<!tpu.dma_semaphore, #tpu.memory_space<semaphore_mem>>) {add = true}
        %get3A_253 = arith.constant 0 : index
        %get3A_254 = tpu.vector_load %arg11[%get3A_253] {strides = array<i32>} : memref<128xi32, #tpu.memory_space<vmem>>, vector<16xi32>,
        %broadcast_in_dim3A = arith.constant 1.000000e+00 : f32
        %broadcast_in_dim3A_255 = vector.broadcast %broadcast_in_dim3A : f32 to vector<16xf32>
        tpu.vector_store_idx %arg31[%get3A_254], %broadcast_in_dim3A_255 {add = true} : memref<5120xf32, #tpu.memory_space<vmem>>[vector<16xi32>], vector<16xf32>,
        %get3A_256 = arith.constant 16 : index
        %get3A_257 = tpu.vector_load %arg11[%get3A_256] {strides = array<i32>} : memref<128xi32, #tpu.memory_space<vmem>>, vector<16xi32>,
        %broadcast_in_dim3A_258 = arith.constant 1.000000e+00 : f32
        %broadcast_in_dim3A_259 = vector.broadcast %broadcast_in_dim3A_258 : f32 to vector<16xf32>
        tpu.vector_store_idx %arg31[%get3A_257], %broadcast_in_dim3A_259 {add = true} : memref<5120xf32, #tpu.memory_space<vmem>>[vector<16xi32>], vector<16xf32>,
        %get3A_260 = arith.constant 32 : index
        %get3A_261 = tpu.vector_load %arg11[%get3A_260] {strides = array<i32>} : memref<128xi32, #tpu.memory_space<vmem>>, vector<16xi32>,
        %broadcast_in_dim3A_262 = arith.constant 1.000000e+00 : f32
        %broadcast_in_dim3A_263 = vector.broadcast %broadcast_in_dim3A_262 : f32 to vector<16xf32>
        tpu.vector_store_idx %arg31[%get3A_261], %broadcast_in_dim3A_263 {add = true} : memref<5120xf32, #tpu.memory_space<vmem>>[vector<16xi32>], vector<16xf32>,
        %get3A_264 = arith.constant 48 : index
        %get3A_265 = tpu.vector_load %arg11[%get3A_264] {strides = array<i32>} : memref<128xi32, #tpu.memory_space<vmem>>, vector<16xi32>,
        %broadcast_in_dim3A_266 = arith.constant 1.000000e+00 : f32
        %broadcast_in_dim3A_267 = vector.broadcast %broadcast_in_dim3A_266 : f32 to vector<16xf32>
        tpu.vector_store_idx %arg31[%get3A_265], %broadcast_in_dim3A_267 {add = true} : memref<5120xf32, #tpu.memory_space<vmem>>[vector<16xi32>], vector<16xf32>,
        %get3A_268 = arith.constant 64 : index
        %get3A_269 = tpu.vector_load %arg11[%get3A_268] {strides = array<i32>} : memref<128xi32, #tpu.memory_space<vmem>>, vector<16xi32>,
        %broadcast_in_dim3A_270 = arith.constant 1.000000e+00 : f32
        %broadcast_in_dim3A_271 = vector.broadcast %broadcast_in_dim3A_270 : f32 to vector<16xf32>
        tpu.vector_store_idx %arg31[%get3A_269], %broadcast_in_dim3A_271 {add = true} : memref<5120xf32, #tpu.memory_space<vmem>>[vector<16xi32>], vector<16xf32>,
        %get3A_272 = arith.constant 80 : index
        %get3A_273 = tpu.vector_load %arg11[%get3A_272] {strides = array<i32>} : memref<128xi32, #tpu.memory_space<vmem>>, vector<16xi32>,
        %broadcast_in_dim3A_274 = arith.constant 1.000000e+00 : f32
        %broadcast_in_dim3A_275 = vector.broadcast %broadcast_in_dim3A_274 : f32 to vector<16xf32>
        tpu.vector_store_idx %arg31[%get3A_273], %broadcast_in_dim3A_275 {add = true} : memref<5120xf32, #tpu.memory_space<vmem>>[vector<16xi32>], vector<16xf32>,
        %get3A_276 = arith.constant 96 : index
        %get3A_277 = tpu.vector_load %arg11[%get3A_276] {strides = array<i32>} : memref<128xi32, #tpu.memory_space<vmem>>, vector<16xi32>,
        %broadcast_in_dim3A_278 = arith.constant 1.000000e+00 : f32
        %broadcast_in_dim3A_279 = vector.broadcast %broadcast_in_dim3A_278 : f32 to vector<16xf32>
        tpu.vector_store_idx %arg31[%get3A_277], %broadcast_in_dim3A_279 {add = true} : memref<5120xf32, #tpu.memory_space<vmem>>[vector<16xi32>], vector<16xf32>,
        %get3A_280 = arith.constant 112 : index
        %get3A_281 = tpu.vector_load %arg11[%get3A_280] {strides = array<i32>} : memref<128xi32, #tpu.memory_space<vmem>>, vector<16xi32>,
        %broadcast_in_dim3A_282 = arith.constant 1.000000e+00 : f32
        %broadcast_in_dim3A_283 = vector.broadcast %broadcast_in_dim3A_282 : f32 to vector<16xf32>
        tpu.vector_store_idx %arg31[%get3A_281], %broadcast_in_dim3A_283 {add = true} : memref<5120xf32, #tpu.memory_space<vmem>>[vector<16xi32>], vector<16xf32>,
      } else {
      }
      %add3A_109 = arith.constant 0 : i32
      %add3A_110 = arith.addi %add3A_73, %add3A_109 : i32
      %add3A_111 = arith.constant 3 : i32
      %add3A_112 = arith.addi %add3A_110, %add3A_111 : i32
      %mul3A_113 = arith.constant 32 : i32
      %mul3A_114 = arith.muli %add3A_112, %mul3A_113 : i32
      %add3A_115 = arith.addi %mul3A_114, %add3A : i32
      %lt3A_116 = arith.constant 2500 : i32
      %lt3A_117 = arith.cmpi slt, %add3A_115, %lt3A_116 : i32
      %convert_element_type3A_118 = arith.extui %lt3A_117 : i1 to i32
      %cond3A_119 = arith.constant 0 : i32
      %cond3A_120 = arith.cmpi ne, %convert_element_type3A_118, %cond3A_119 : i32
      scf.if %cond3A_120 {
        %mul3A_219 = arith.constant 128 : i32
        %mul3A_220 = arith.muli %add3A_115, %mul3A_219 : i32
        %dma_start3A = tpu.memref_slice %arg3[%mul3A_220] : memref<320000xi32, #tpu.memory_space<hbm>> -> memref<128xi32, #tpu.memory_space<hbm>>
        %dma_start3A_221 = tpu.memref_slice %arg3[%mul3A_220] : memref<320000xi32, #tpu.memory_space<hbm>> -> memref<128xi32, #tpu.memory_space<hbm>>
        tpu.enqueue_dma source(%dma_start3A_221 : memref<128xi32, #tpu.memory_space<hbm>>) target(%arg9 : memref<128xi32, #tpu.memory_space<vmem>>) target_semaphore(%arg22 : memref<!tpu.dma_semaphore, #tpu.memory_space<semaphore_mem>>)
        %dma_start3A_222 = tpu.memref_slice %arg4[%mul3A_220] : memref<320000xi32, #tpu.memory_space<hbm>> -> memref<128xi32, #tpu.memory_space<hbm>>
        %dma_start3A_223 = tpu.memref_slice %arg4[%mul3A_220] : memref<320000xi32, #tpu.memory_space<hbm>> -> memref<128xi32, #tpu.memory_space<hbm>>
        tpu.enqueue_dma source(%dma_start3A_223 : memref<128xi32, #tpu.memory_space<hbm>>) target(%arg10 : memref<128xi32, #tpu.memory_space<vmem>>) target_semaphore(%arg22 : memref<!tpu.dma_semaphore, #tpu.memory_space<semaphore_mem>>)
      } else {
      }
      %add3A_121 = arith.constant 1 : i32
      %add3A_122 = arith.addi %add3A_73, %add3A_121 : i32
      %add3A_123 = arith.constant 3 : i32
      %add3A_124 = arith.addi %add3A_122, %add3A_123 : i32
      %sub3A_125 = arith.constant 1 : i32
      %sub3A_126 = arith.subi %add3A_124, %sub3A_125 : i32
      %mul3A_127 = arith.constant 32 : i32
      %mul3A_128 = arith.muli %sub3A_126, %mul3A_127 : i32
      %add3A_129 = arith.addi %mul3A_128, %add3A : i32
      %sub3A_130 = arith.constant 3 : i32
      %sub3A_131 = arith.subi %sub3A_126, %sub3A_130 : i32
      %mul3A_132 = arith.constant 32 : i32
      %mul3A_133 = arith.muli %sub3A_131, %mul3A_132 : i32
      %add3A_134 = arith.addi %mul3A_133, %add3A : i32
      %ge3A_135 = arith.constant 0 : i32
      %ge3A_136 = arith.cmpi sge, %sub3A_131, %ge3A_135 : i32
      %lt3A_137 = arith.constant 2500 : i32
      %lt3A_138 = arith.cmpi slt, %add3A_134, %lt3A_137 : i32
      %and3A_139 = arith.andi %ge3A_136, %lt3A_138 : i1
      %convert_element_type3A_140 = arith.extui %and3A_139 : i1 to i32
      %cond3A_141 = arith.constant 0 : i32
      %cond3A_142 = arith.cmpi ne, %convert_element_type3A_140, %cond3A_141 : i32
      scf.if %cond3A_142 {
        %dma_wait3A = arith.constant 0 : i32
        %dma_wait3A_219 = arith.constant 0 : i32
        %dma_wait3A_220 = tpu.memref_slice %arg21[%dma_wait3A, %dma_wait3A_219] : memref<5120x128xf32, #tpu.memory_space<vmem_shared>> -> memref<5120x128xf32, #tpu.memory_space<vmem_shared>>
        tpu.wait_indirect_dma semaphore(%arg28 : memref<!tpu.dma_semaphore, #tpu.memory_space<semaphore_mem>>) src(%arg12 : memref<128x128xf32, #tpu.memory_space<vmem>>) dst(%dma_wait3A_220 : memref<5120x128xf32, #tpu.memory_space<vmem_shared>>)
      } else {
      }
      %lt3A_143 = arith.constant 2500 : i32
      %lt3A_144 = arith.cmpi slt, %add3A_129, %lt3A_143 : i32
      %convert_element_type3A_145 = arith.extui %lt3A_144 : i1 to i32
      %cond3A_146 = arith.constant 0 : i32
      %cond3A_147 = arith.cmpi ne, %convert_element_type3A_145, %cond3A_146 : i32
      scf.if %cond3A_147 {
        %dma_wait3A = arith.constant 0 : i32
        %dma_wait3A_219 = tpu.memref_slice %arg3[%dma_wait3A] : memref<320000xi32, #tpu.memory_space<hbm>> -> memref<128xi32, #tpu.memory_space<hbm>>
        %dma_wait3A_220 = arith.constant 0 : i32
        %dma_wait3A_221 = tpu.memref_slice %arg3[%dma_wait3A_220] : memref<320000xi32, #tpu.memory_space<hbm>> -> memref<128xi32, #tpu.memory_space<hbm>>
        tpu.wait_dma2 semaphore(%arg22 : memref<!tpu.dma_semaphore, #tpu.memory_space<semaphore_mem>>) src(%dma_wait3A_221 : memref<128xi32, #tpu.memory_space<hbm>>) dst(%arg9 : memref<128xi32, #tpu.memory_space<vmem>>)
        %dma_wait3A_222 = arith.constant 0 : i32
        %dma_wait3A_223 = tpu.memref_slice %arg4[%dma_wait3A_222] : memref<320000xi32, #tpu.memory_space<hbm>> -> memref<128xi32, #tpu.memory_space<hbm>>
        %dma_wait3A_224 = arith.constant 0 : i32
        %dma_wait3A_225 = tpu.memref_slice %arg4[%dma_wait3A_224] : memref<320000xi32, #tpu.memory_space<hbm>> -> memref<128xi32, #tpu.memory_space<hbm>>
        tpu.wait_dma2 semaphore(%arg22 : memref<!tpu.dma_semaphore, #tpu.memory_space<semaphore_mem>>) src(%dma_wait3A_225 : memref<128xi32, #tpu.memory_space<hbm>>) dst(%arg10 : memref<128xi32, #tpu.memory_space<vmem>>)
        %dma_start3A = arith.constant 0 : i32
        %dma_start3A_226 = arith.constant 0 : i32
        %dma_start3A_227 = tpu.memref_slice %arg2[%dma_start3A, %dma_start3A_226] : memref<10000x128xf32, #tpu.memory_space<hbm>> -> memref<10000x128xf32, #tpu.memory_space<hbm>>
        tpu.enqueue_indirect_dma source(%dma_start3A_227 : memref<10000x128xf32, #tpu.memory_space<hbm>>) target(%arg12 : memref<128x128xf32, #tpu.memory_space<vmem>>) offsets(%arg9 : memref<128xi32, #tpu.memory_space<vmem>>) semaphore(%arg25 : memref<!tpu.dma_semaphore, #tpu.memory_space<semaphore_mem>>)
      } else {
      }
      %add3A_148 = arith.constant 1 : i32
      %add3A_149 = arith.addi %add3A_73, %add3A_148 : i32
      %mul3A_150 = arith.constant 32 : i32
      %mul3A_151 = arith.muli %add3A_149, %mul3A_150 : i32
      %add3A_152 = arith.addi %mul3A_151, %add3A : i32
      %lt3A_153 = arith.constant 2500 : i32
      %lt3A_154 = arith.cmpi slt, %add3A_152, %lt3A_153 : i32
      %convert_element_type3A_155 = arith.extui %lt3A_154 : i1 to i32
      %cond3A_156 = arith.constant 0 : i32
      %cond3A_157 = arith.cmpi ne, %convert_element_type3A_155, %cond3A_156 : i32
      scf.if %cond3A_157 {
        %dma_wait3A = arith.constant 0 : i32
        %dma_wait3A_219 = arith.constant 0 : i32
        %dma_wait3A_220 = tpu.memref_slice %arg2[%dma_wait3A, %dma_wait3A_219] : memref<10000x128xf32, #tpu.memory_space<hbm>> -> memref<10000x128xf32, #tpu.memory_space<hbm>>
        tpu.wait_indirect_dma semaphore(%arg26 : memref<!tpu.dma_semaphore, #tpu.memory_space<semaphore_mem>>) src(%dma_wait3A_220 : memref<10000x128xf32, #tpu.memory_space<hbm>>) dst(%arg16 : memref<128x128xf32, #tpu.memory_space<vmem>>)
        %get3A = arith.constant 0 : index
        %get3A_221 = tpu.vector_load %arg14[%get3A] {strides = array<i32>} : memref<128xi32, #tpu.memory_space<vmem>>, vector<16xi32>,
        %swap3A = arith.constant 0 : index
        %swap3A_222 = tpu.vector_load %arg15[%swap3A] {strides = array<i32>} : memref<128xi32, #tpu.memory_space<vmem>>, vector<16xi32>,
        tpu.vector_store %arg15[%swap3A], %get3A_221 {strides = array<i32>} : memref<128xi32, #tpu.memory_space<vmem>>, vector<16xi32>,
        %get3A_223 = arith.constant 16 : index
        %get3A_224 = tpu.vector_load %arg14[%get3A_223] {strides = array<i32>} : memref<128xi32, #tpu.memory_space<vmem>>, vector<16xi32>,
        %swap3A_225 = arith.constant 16 : index
        %swap3A_226 = tpu.vector_load %arg15[%swap3A_225] {strides = array<i32>} : memref<128xi32, #tpu.memory_space<vmem>>, vector<16xi32>,
        tpu.vector_store %arg15[%swap3A_225], %get3A_224 {strides = array<i32>} : memref<128xi32, #tpu.memory_space<vmem>>, vector<16xi32>,
        %get3A_227 = arith.constant 32 : index
        %get3A_228 = tpu.vector_load %arg14[%get3A_227] {strides = array<i32>} : memref<128xi32, #tpu.memory_space<vmem>>, vector<16xi32>,
        %swap3A_229 = arith.constant 32 : index
        %swap3A_230 = tpu.vector_load %arg15[%swap3A_229] {strides = array<i32>} : memref<128xi32, #tpu.memory_space<vmem>>, vector<16xi32>,
        tpu.vector_store %arg15[%swap3A_229], %get3A_228 {strides = array<i32>} : memref<128xi32, #tpu.memory_space<vmem>>, vector<16xi32>,
        %get3A_231 = arith.constant 48 : index
        %get3A_232 = tpu.vector_load %arg14[%get3A_231] {strides = array<i32>} : memref<128xi32, #tpu.memory_space<vmem>>, vector<16xi32>,
        %swap3A_233 = arith.constant 48 : index
        %swap3A_234 = tpu.vector_load %arg15[%swap3A_233] {strides = array<i32>} : memref<128xi32, #tpu.memory_space<vmem>>, vector<16xi32>,
        tpu.vector_store %arg15[%swap3A_233], %get3A_232 {strides = array<i32>} : memref<128xi32, #tpu.memory_space<vmem>>, vector<16xi32>,
        %get3A_235 = arith.constant 64 : index
        %get3A_236 = tpu.vector_load %arg14[%get3A_235] {strides = array<i32>} : memref<128xi32, #tpu.memory_space<vmem>>, vector<16xi32>,
        %swap3A_237 = arith.constant 64 : index
        %swap3A_238 = tpu.vector_load %arg15[%swap3A_237] {strides = array<i32>} : memref<128xi32, #tpu.memory_space<vmem>>, vector<16xi32>,
        tpu.vector_store %arg15[%swap3A_237], %get3A_236 {strides = array<i32>} : memref<128xi32, #tpu.memory_space<vmem>>, vector<16xi32>,
        %get3A_239 = arith.constant 80 : index
        %get3A_240 = tpu.vector_load %arg14[%get3A_239] {strides = array<i32>} : memref<128xi32, #tpu.memory_space<vmem>>, vector<16xi32>,
        %swap3A_241 = arith.constant 80 : index
        %swap3A_242 = tpu.vector_load %arg15[%swap3A_241] {strides = array<i32>} : memref<128xi32, #tpu.memory_space<vmem>>, vector<16xi32>,
        tpu.vector_store %arg15[%swap3A_241], %get3A_240 {strides = array<i32>} : memref<128xi32, #tpu.memory_space<vmem>>, vector<16xi32>,
        %get3A_243 = arith.constant 96 : index
        %get3A_244 = tpu.vector_load %arg14[%get3A_243] {strides = array<i32>} : memref<128xi32, #tpu.memory_space<vmem>>, vector<16xi32>,
        %swap3A_245 = arith.constant 96 : index
        %swap3A_246 = tpu.vector_load %arg15[%swap3A_245] {strides = array<i32>} : memref<128xi32, #tpu.memory_space<vmem>>, vector<16xi32>,
        tpu.vector_store %arg15[%swap3A_245], %get3A_244 {strides = array<i32>} : memref<128xi32, #tpu.memory_space<vmem>>, vector<16xi32>,
        %get3A_247 = arith.constant 112 : index
        %get3A_248 = tpu.vector_load %arg14[%get3A_247] {strides = array<i32>} : memref<128xi32, #tpu.memory_space<vmem>>, vector<16xi32>,
        %swap3A_249 = arith.constant 112 : index
        %swap3A_250 = tpu.vector_load %arg15[%swap3A_249] {strides = array<i32>} : memref<128xi32, #tpu.memory_space<vmem>>, vector<16xi32>,
        tpu.vector_store %arg15[%swap3A_249], %get3A_248 {strides = array<i32>} : memref<128xi32, #tpu.memory_space<vmem>>, vector<16xi32>,
        %dma_start3A = arith.constant 0 : i32
        %dma_start3A_251 = arith.constant 0 : i32
        %dma_start3A_252 = tpu.memref_slice %arg21[%dma_start3A, %dma_start3A_251] : memref<5120x128xf32, #tpu.memory_space<vmem_shared>> -> memref<5120x128xf32, #tpu.memory_space<vmem_shared>>
        tpu.enqueue_indirect_dma source(%arg16 : memref<128x128xf32, #tpu.memory_space<vmem>>) target(%dma_start3A_252 : memref<5120x128xf32, #tpu.memory_space<vmem_shared>>) offsets(%arg15 : memref<128xi32, #tpu.memory_space<vmem>>) semaphore(%arg29 : memref<!tpu.dma_semaphore, #tpu.memory_space<semaphore_mem>>) {add = true}
        %get3A_253 = arith.constant 0 : index
        %get3A_254 = tpu.vector_load %arg15[%get3A_253] {strides = array<i32>} : memref<128xi32, #tpu.memory_space<vmem>>, vector<16xi32>,
        %broadcast_in_dim3A = arith.constant 1.000000e+00 : f32
        %broadcast_in_dim3A_255 = vector.broadcast %broadcast_in_dim3A : f32 to vector<16xf32>
        tpu.vector_store_idx %arg31[%get3A_254], %broadcast_in_dim3A_255 {add = true} : memref<5120xf32, #tpu.memory_space<vmem>>[vector<16xi32>], vector<16xf32>,
        %get3A_256 = arith.constant 16 : index
        %get3A_257 = tpu.vector_load %arg15[%get3A_256] {strides = array<i32>} : memref<128xi32, #tpu.memory_space<vmem>>, vector<16xi32>,
        %broadcast_in_dim3A_258 = arith.constant 1.000000e+00 : f32
        %broadcast_in_dim3A_259 = vector.broadcast %broadcast_in_dim3A_258 : f32 to vector<16xf32>
        tpu.vector_store_idx %arg31[%get3A_257], %broadcast_in_dim3A_259 {add = true} : memref<5120xf32, #tpu.memory_space<vmem>>[vector<16xi32>], vector<16xf32>,
        %get3A_260 = arith.constant 32 : index
        %get3A_261 = tpu.vector_load %arg15[%get3A_260] {strides = array<i32>} : memref<128xi32, #tpu.memory_space<vmem>>, vector<16xi32>,
        %broadcast_in_dim3A_262 = arith.constant 1.000000e+00 : f32
        %broadcast_in_dim3A_263 = vector.broadcast %broadcast_in_dim3A_262 : f32 to vector<16xf32>
        tpu.vector_store_idx %arg31[%get3A_261], %broadcast_in_dim3A_263 {add = true} : memref<5120xf32, #tpu.memory_space<vmem>>[vector<16xi32>], vector<16xf32>,
        %get3A_264 = arith.constant 48 : index
        %get3A_265 = tpu.vector_load %arg15[%get3A_264] {strides = array<i32>} : memref<128xi32, #tpu.memory_space<vmem>>, vector<16xi32>,
        %broadcast_in_dim3A_266 = arith.constant 1.000000e+00 : f32
        %broadcast_in_dim3A_267 = vector.broadcast %broadcast_in_dim3A_266 : f32 to vector<16xf32>
        tpu.vector_store_idx %arg31[%get3A_265], %broadcast_in_dim3A_267 {add = true} : memref<5120xf32, #tpu.memory_space<vmem>>[vector<16xi32>], vector<16xf32>,
        %get3A_268 = arith.constant 64 : index
        %get3A_269 = tpu.vector_load %arg15[%get3A_268] {strides = array<i32>} : memref<128xi32, #tpu.memory_space<vmem>>, vector<16xi32>,
        %broadcast_in_dim3A_270 = arith.constant 1.000000e+00 : f32
        %broadcast_in_dim3A_271 = vector.broadcast %broadcast_in_dim3A_270 : f32 to vector<16xf32>
        tpu.vector_store_idx %arg31[%get3A_269], %broadcast_in_dim3A_271 {add = true} : memref<5120xf32, #tpu.memory_space<vmem>>[vector<16xi32>], vector<16xf32>,
        %get3A_272 = arith.constant 80 : index
        %get3A_273 = tpu.vector_load %arg15[%get3A_272] {strides = array<i32>} : memref<128xi32, #tpu.memory_space<vmem>>, vector<16xi32>,
        %broadcast_in_dim3A_274 = arith.constant 1.000000e+00 : f32
        %broadcast_in_dim3A_275 = vector.broadcast %broadcast_in_dim3A_274 : f32 to vector<16xf32>
        tpu.vector_store_idx %arg31[%get3A_273], %broadcast_in_dim3A_275 {add = true} : memref<5120xf32, #tpu.memory_space<vmem>>[vector<16xi32>], vector<16xf32>,
        %get3A_276 = arith.constant 96 : index
        %get3A_277 = tpu.vector_load %arg15[%get3A_276] {strides = array<i32>} : memref<128xi32, #tpu.memory_space<vmem>>, vector<16xi32>,
        %broadcast_in_dim3A_278 = arith.constant 1.000000e+00 : f32
        %broadcast_in_dim3A_279 = vector.broadcast %broadcast_in_dim3A_278 : f32 to vector<16xf32>
        tpu.vector_store_idx %arg31[%get3A_277], %broadcast_in_dim3A_279 {add = true} : memref<5120xf32, #tpu.memory_space<vmem>>[vector<16xi32>], vector<16xf32>,
        %get3A_280 = arith.constant 112 : index
        %get3A_281 = tpu.vector_load %arg15[%get3A_280] {strides = array<i32>} : memref<128xi32, #tpu.memory_space<vmem>>, vector<16xi32>,
        %broadcast_in_dim3A_282 = arith.constant 1.000000e+00 : f32
        %broadcast_in_dim3A_283 = vector.broadcast %broadcast_in_dim3A_282 : f32 to vector<16xf32>
        tpu.vector_store_idx %arg31[%get3A_281], %broadcast_in_dim3A_283 {add = true} : memref<5120xf32, #tpu.memory_space<vmem>>[vector<16xi32>], vector<16xf32>,
      } else {
      }
      %add3A_158 = arith.constant 1 : i32
      %add3A_159 = arith.addi %add3A_73, %add3A_158 : i32
      %add3A_160 = arith.constant 3 : i32
      %add3A_161 = arith.addi %add3A_159, %add3A_160 : i32
      %mul3A_162 = arith.constant 32 : i32
      %mul3A_163 = arith.muli %add3A_161, %mul3A_162 : i32
      %add3A_164 = arith.addi %mul3A_163, %add3A : i32
      %lt3A_165 = arith.constant 2500 : i32
      %lt3A_166 = arith.cmpi slt, %add3A_164, %lt3A_165 : i32
      %convert_element_type3A_167 = arith.extui %lt3A_166 : i1 to i32
      %cond3A_168 = arith.constant 0 : i32
      %cond3A_169 = arith.cmpi ne, %convert_element_type3A_167, %cond3A_168 : i32
      scf.if %cond3A_169 {
        %mul3A_219 = arith.constant 128 : i32
        %mul3A_220 = arith.muli %add3A_164, %mul3A_219 : i32
        %dma_start3A = tpu.memref_slice %arg3[%mul3A_220] : memref<320000xi32, #tpu.memory_space<hbm>> -> memref<128xi32, #tpu.memory_space<hbm>>
        %dma_start3A_221 = tpu.memref_slice %arg3[%mul3A_220] : memref<320000xi32, #tpu.memory_space<hbm>> -> memref<128xi32, #tpu.memory_space<hbm>>
        tpu.enqueue_dma source(%dma_start3A_221 : memref<128xi32, #tpu.memory_space<hbm>>) target(%arg13 : memref<128xi32, #tpu.memory_space<vmem>>) target_semaphore(%arg23 : memref<!tpu.dma_semaphore, #tpu.memory_space<semaphore_mem>>)
        %dma_start3A_222 = tpu.memref_slice %arg4[%mul3A_220] : memref<320000xi32, #tpu.memory_space<hbm>> -> memref<128xi32, #tpu.memory_space<hbm>>
        %dma_start3A_223 = tpu.memref_slice %arg4[%mul3A_220] : memref<320000xi32, #tpu.memory_space<hbm>> -> memref<128xi32, #tpu.memory_space<hbm>>
        tpu.enqueue_dma source(%dma_start3A_223 : memref<128xi32, #tpu.memory_space<hbm>>) target(%arg14 : memref<128xi32, #tpu.memory_space<vmem>>) target_semaphore(%arg23 : memref<!tpu.dma_semaphore, #tpu.memory_space<semaphore_mem>>)
      } else {
      }
      %add3A_170 = arith.constant 2 : i32
      %add3A_171 = arith.addi %add3A_73, %add3A_170 : i32
      %add3A_172 = arith.constant 3 : i32
      %add3A_173 = arith.addi %add3A_171, %add3A_172 : i32
      %sub3A_174 = arith.constant 1 : i32
      %sub3A_175 = arith.subi %add3A_173, %sub3A_174 : i32
      %mul3A_176 = arith.constant 32 : i32
      %mul3A_177 = arith.muli %sub3A_175, %mul3A_176 : i32
      %add3A_178 = arith.addi %mul3A_177, %add3A : i32
      %sub3A_179 = arith.constant 3 : i32
      %sub3A_180 = arith.subi %sub3A_175, %sub3A_179 : i32
      %mul3A_181 = arith.constant 32 : i32
      %mul3A_182 = arith.muli %sub3A_180, %mul3A_181 : i32
      %add3A_183 = arith.addi %mul3A_182, %add3A : i32
      %ge3A_184 = arith.constant 0 : i32
      %ge3A_185 = arith.cmpi sge, %sub3A_180, %ge3A_184 : i32
      %lt3A_186 = arith.constant 2500 : i32
      %lt3A_187 = arith.cmpi slt, %add3A_183, %lt3A_186 : i32
      %and3A_188 = arith.andi %ge3A_185, %lt3A_187 : i1
      %convert_element_type3A_189 = arith.extui %and3A_188 : i1 to i32
      %cond3A_190 = arith.constant 0 : i32
      %cond3A_191 = arith.cmpi ne, %convert_element_type3A_189, %cond3A_190 : i32
      scf.if %cond3A_191 {
        %dma_wait3A = arith.constant 0 : i32
        %dma_wait3A_219 = arith.constant 0 : i32
        %dma_wait3A_220 = tpu.memref_slice %arg21[%dma_wait3A, %dma_wait3A_219] : memref<5120x128xf32, #tpu.memory_space<vmem_shared>> -> memref<5120x128xf32, #tpu.memory_space<vmem_shared>>
        tpu.wait_indirect_dma semaphore(%arg29 : memref<!tpu.dma_semaphore, #tpu.memory_space<semaphore_mem>>) src(%arg16 : memref<128x128xf32, #tpu.memory_space<vmem>>) dst(%dma_wait3A_220 : memref<5120x128xf32, #tpu.memory_space<vmem_shared>>)
      } else {
      }
      %lt3A_192 = arith.constant 2500 : i32
      %lt3A_193 = arith.cmpi slt, %add3A_178, %lt3A_192 : i32
      %convert_element_type3A_194 = arith.extui %lt3A_193 : i1 to i32
      %cond3A_195 = arith.constant 0 : i32
      %cond3A_196 = arith.cmpi ne, %convert_element_type3A_194, %cond3A_195 : i32
      scf.if %cond3A_196 {
        %dma_wait3A = arith.constant 0 : i32
        %dma_wait3A_219 = tpu.memref_slice %arg3[%dma_wait3A] : memref<320000xi32, #tpu.memory_space<hbm>> -> memref<128xi32, #tpu.memory_space<hbm>>
        %dma_wait3A_220 = arith.constant 0 : i32
        %dma_wait3A_221 = tpu.memref_slice %arg3[%dma_wait3A_220] : memref<320000xi32, #tpu.memory_space<hbm>> -> memref<128xi32, #tpu.memory_space<hbm>>
        tpu.wait_dma2 semaphore(%arg23 : memref<!tpu.dma_semaphore, #tpu.memory_space<semaphore_mem>>) src(%dma_wait3A_221 : memref<128xi32, #tpu.memory_space<hbm>>) dst(%arg13 : memref<128xi32, #tpu.memory_space<vmem>>)
        %dma_wait3A_222 = arith.constant 0 : i32
        %dma_wait3A_223 = tpu.memref_slice %arg4[%dma_wait3A_222] : memref<320000xi32, #tpu.memory_space<hbm>> -> memref<128xi32, #tpu.memory_space<hbm>>
        %dma_wait3A_224 = arith.constant 0 : i32
        %dma_wait3A_225 = tpu.memref_slice %arg4[%dma_wait3A_224] : memref<320000xi32, #tpu.memory_space<hbm>> -> memref<128xi32, #tpu.memory_space<hbm>>
        tpu.wait_dma2 semaphore(%arg23 : memref<!tpu.dma_semaphore, #tpu.memory_space<semaphore_mem>>) src(%dma_wait3A_225 : memref<128xi32, #tpu.memory_space<hbm>>) dst(%arg14 : memref<128xi32, #tpu.memory_space<vmem>>)
        %dma_start3A = arith.constant 0 : i32
        %dma_start3A_226 = arith.constant 0 : i32
        %dma_start3A_227 = tpu.memref_slice %arg2[%dma_start3A, %dma_start3A_226] : memref<10000x128xf32, #tpu.memory_space<hbm>> -> memref<10000x128xf32, #tpu.memory_space<hbm>>
        tpu.enqueue_indirect_dma source(%dma_start3A_227 : memref<10000x128xf32, #tpu.memory_space<hbm>>) target(%arg16 : memref<128x128xf32, #tpu.memory_space<vmem>>) offsets(%arg13 : memref<128xi32, #tpu.memory_space<vmem>>) semaphore(%arg26 : memref<!tpu.dma_semaphore, #tpu.memory_space<semaphore_mem>>)
      } else {
      }
      %add3A_197 = arith.constant 2 : i32
      %add3A_198 = arith.addi %add3A_73, %add3A_197 : i32
      %mul3A_199 = arith.constant 32 : i32
      %mul3A_200 = arith.muli %add3A_198, %mul3A_199 : i32
      %add3A_201 = arith.addi %mul3A_200, %add3A : i32
      %lt3A_202 = arith.constant 2500 : i32
      %lt3A_203 = arith.cmpi slt, %add3A_201, %lt3A_202 : i32
      %convert_element_type3A_204 = arith.extui %lt3A_203 : i1 to i32
      %cond3A_205 = arith.constant 0 : i32
      %cond3A_206 = arith.cmpi ne, %convert_element_type3A_204, %cond3A_205 : i32
      scf.if %cond3A_206 {
        %dma_wait3A = arith.constant 0 : i32
        %dma_wait3A_219 = arith.constant 0 : i32
        %dma_wait3A_220 = tpu.memref_slice %arg2[%dma_wait3A, %dma_wait3A_219] : memref<10000x128xf32, #tpu.memory_space<hbm>> -> memref<10000x128xf32, #tpu.memory_space<hbm>>
        tpu.wait_indirect_dma semaphore(%arg27 : memref<!tpu.dma_semaphore, #tpu.memory_space<semaphore_mem>>) src(%dma_wait3A_220 : memref<10000x128xf32, #tpu.memory_space<hbm>>) dst(%arg20 : memref<128x128xf32, #tpu.memory_space<vmem>>)
        %get3A = arith.constant 0 : index
        %get3A_221 = tpu.vector_load %arg18[%get3A] {strides = array<i32>} : memref<128xi32, #tpu.memory_space<vmem>>, vector<16xi32>,
        %swap3A = arith.constant 0 : index
        %swap3A_222 = tpu.vector_load %arg19[%swap3A] {strides = array<i32>} : memref<128xi32, #tpu.memory_space<vmem>>, vector<16xi32>,
        tpu.vector_store %arg19[%swap3A], %get3A_221 {strides = array<i32>} : memref<128xi32, #tpu.memory_space<vmem>>, vector<16xi32>,
        %get3A_223 = arith.constant 16 : index
        %get3A_224 = tpu.vector_load %arg18[%get3A_223] {strides = array<i32>} : memref<128xi32, #tpu.memory_space<vmem>>, vector<16xi32>,
        %swap3A_225 = arith.constant 16 : index
        %swap3A_226 = tpu.vector_load %arg19[%swap3A_225] {strides = array<i32>} : memref<128xi32, #tpu.memory_space<vmem>>, vector<16xi32>,
        tpu.vector_store %arg19[%swap3A_225], %get3A_224 {strides = array<i32>} : memref<128xi32, #tpu.memory_space<vmem>>, vector<16xi32>,
        %get3A_227 = arith.constant 32 : index
        %get3A_228 = tpu.vector_load %arg18[%get3A_227] {strides = array<i32>} : memref<128xi32, #tpu.memory_space<vmem>>, vector<16xi32>,
        %swap3A_229 = arith.constant 32 : index
        %swap3A_230 = tpu.vector_load %arg19[%swap3A_229] {strides = array<i32>} : memref<128xi32, #tpu.memory_space<vmem>>, vector<16xi32>,
        tpu.vector_store %arg19[%swap3A_229], %get3A_228 {strides = array<i32>} : memref<128xi32, #tpu.memory_space<vmem>>, vector<16xi32>,
        %get3A_231 = arith.constant 48 : index
        %get3A_232 = tpu.vector_load %arg18[%get3A_231] {strides = array<i32>} : memref<128xi32, #tpu.memory_space<vmem>>, vector<16xi32>,
        %swap3A_233 = arith.constant 48 : index
        %swap3A_234 = tpu.vector_load %arg19[%swap3A_233] {strides = array<i32>} : memref<128xi32, #tpu.memory_space<vmem>>, vector<16xi32>,
        tpu.vector_store %arg19[%swap3A_233], %get3A_232 {strides = array<i32>} : memref<128xi32, #tpu.memory_space<vmem>>, vector<16xi32>,
        %get3A_235 = arith.constant 64 : index
        %get3A_236 = tpu.vector_load %arg18[%get3A_235] {strides = array<i32>} : memref<128xi32, #tpu.memory_space<vmem>>, vector<16xi32>,
        %swap3A_237 = arith.constant 64 : index
        %swap3A_238 = tpu.vector_load %arg19[%swap3A_237] {strides = array<i32>} : memref<128xi32, #tpu.memory_space<vmem>>, vector<16xi32>,
        tpu.vector_store %arg19[%swap3A_237], %get3A_236 {strides = array<i32>} : memref<128xi32, #tpu.memory_space<vmem>>, vector<16xi32>,
        %get3A_239 = arith.constant 80 : index
        %get3A_240 = tpu.vector_load %arg18[%get3A_239] {strides = array<i32>} : memref<128xi32, #tpu.memory_space<vmem>>, vector<16xi32>,
        %swap3A_241 = arith.constant 80 : index
        %swap3A_242 = tpu.vector_load %arg19[%swap3A_241] {strides = array<i32>} : memref<128xi32, #tpu.memory_space<vmem>>, vector<16xi32>,
        tpu.vector_store %arg19[%swap3A_241], %get3A_240 {strides = array<i32>} : memref<128xi32, #tpu.memory_space<vmem>>, vector<16xi32>,
        %get3A_243 = arith.constant 96 : index
        %get3A_244 = tpu.vector_load %arg18[%get3A_243] {strides = array<i32>} : memref<128xi32, #tpu.memory_space<vmem>>, vector<16xi32>,
        %swap3A_245 = arith.constant 96 : index
        %swap3A_246 = tpu.vector_load %arg19[%swap3A_245] {strides = array<i32>} : memref<128xi32, #tpu.memory_space<vmem>>, vector<16xi32>,
        tpu.vector_store %arg19[%swap3A_245], %get3A_244 {strides = array<i32>} : memref<128xi32, #tpu.memory_space<vmem>>, vector<16xi32>,
        %get3A_247 = arith.constant 112 : index
        %get3A_248 = tpu.vector_load %arg18[%get3A_247] {strides = array<i32>} : memref<128xi32, #tpu.memory_space<vmem>>, vector<16xi32>,
        %swap3A_249 = arith.constant 112 : index
        %swap3A_250 = tpu.vector_load %arg19[%swap3A_249] {strides = array<i32>} : memref<128xi32, #tpu.memory_space<vmem>>, vector<16xi32>,
        tpu.vector_store %arg19[%swap3A_249], %get3A_248 {strides = array<i32>} : memref<128xi32, #tpu.memory_space<vmem>>, vector<16xi32>,
        %dma_start3A = arith.constant 0 : i32
        %dma_start3A_251 = arith.constant 0 : i32
        %dma_start3A_252 = tpu.memref_slice %arg21[%dma_start3A, %dma_start3A_251] : memref<5120x128xf32, #tpu.memory_space<vmem_shared>> -> memref<5120x128xf32, #tpu.memory_space<vmem_shared>>
        tpu.enqueue_indirect_dma source(%arg20 : memref<128x128xf32, #tpu.memory_space<vmem>>) target(%dma_start3A_252 : memref<5120x128xf32, #tpu.memory_space<vmem_shared>>) offsets(%arg19 : memref<128xi32, #tpu.memory_space<vmem>>) semaphore(%arg30 : memref<!tpu.dma_semaphore, #tpu.memory_space<semaphore_mem>>) {add = true}
        %get3A_253 = arith.constant 0 : index
        %get3A_254 = tpu.vector_load %arg19[%get3A_253] {strides = array<i32>} : memref<128xi32, #tpu.memory_space<vmem>>, vector<16xi32>,
        %broadcast_in_dim3A = arith.constant 1.000000e+00 : f32
        %broadcast_in_dim3A_255 = vector.broadcast %broadcast_in_dim3A : f32 to vector<16xf32>
        tpu.vector_store_idx %arg31[%get3A_254], %broadcast_in_dim3A_255 {add = true} : memref<5120xf32, #tpu.memory_space<vmem>>[vector<16xi32>], vector<16xf32>,
        %get3A_256 = arith.constant 16 : index
        %get3A_257 = tpu.vector_load %arg19[%get3A_256] {strides = array<i32>} : memref<128xi32, #tpu.memory_space<vmem>>, vector<16xi32>,
        %broadcast_in_dim3A_258 = arith.constant 1.000000e+00 : f32
        %broadcast_in_dim3A_259 = vector.broadcast %broadcast_in_dim3A_258 : f32 to vector<16xf32>
        tpu.vector_store_idx %arg31[%get3A_257], %broadcast_in_dim3A_259 {add = true} : memref<5120xf32, #tpu.memory_space<vmem>>[vector<16xi32>], vector<16xf32>,
        %get3A_260 = arith.constant 32 : index
        %get3A_261 = tpu.vector_load %arg19[%get3A_260] {strides = array<i32>} : memref<128xi32, #tpu.memory_space<vmem>>, vector<16xi32>,
        %broadcast_in_dim3A_262 = arith.constant 1.000000e+00 : f32
        %broadcast_in_dim3A_263 = vector.broadcast %broadcast_in_dim3A_262 : f32 to vector<16xf32>
        tpu.vector_store_idx %arg31[%get3A_261], %broadcast_in_dim3A_263 {add = true} : memref<5120xf32, #tpu.memory_space<vmem>>[vector<16xi32>], vector<16xf32>,
        %get3A_264 = arith.constant 48 : index
        %get3A_265 = tpu.vector_load %arg19[%get3A_264] {strides = array<i32>} : memref<128xi32, #tpu.memory_space<vmem>>, vector<16xi32>,
        %broadcast_in_dim3A_266 = arith.constant 1.000000e+00 : f32
        %broadcast_in_dim3A_267 = vector.broadcast %broadcast_in_dim3A_266 : f32 to vector<16xf32>
        tpu.vector_store_idx %arg31[%get3A_265], %broadcast_in_dim3A_267 {add = true} : memref<5120xf32, #tpu.memory_space<vmem>>[vector<16xi32>], vector<16xf32>,
        %get3A_268 = arith.constant 64 : index
        %get3A_269 = tpu.vector_load %arg19[%get3A_268] {strides = array<i32>} : memref<128xi32, #tpu.memory_space<vmem>>, vector<16xi32>,
        %broadcast_in_dim3A_270 = arith.constant 1.000000e+00 : f32
        %broadcast_in_dim3A_271 = vector.broadcast %broadcast_in_dim3A_270 : f32 to vector<16xf32>
        tpu.vector_store_idx %arg31[%get3A_269], %broadcast_in_dim3A_271 {add = true} : memref<5120xf32, #tpu.memory_space<vmem>>[vector<16xi32>], vector<16xf32>,
        %get3A_272 = arith.constant 80 : index
        %get3A_273 = tpu.vector_load %arg19[%get3A_272] {strides = array<i32>} : memref<128xi32, #tpu.memory_space<vmem>>, vector<16xi32>,
        %broadcast_in_dim3A_274 = arith.constant 1.000000e+00 : f32
        %broadcast_in_dim3A_275 = vector.broadcast %broadcast_in_dim3A_274 : f32 to vector<16xf32>
        tpu.vector_store_idx %arg31[%get3A_273], %broadcast_in_dim3A_275 {add = true} : memref<5120xf32, #tpu.memory_space<vmem>>[vector<16xi32>], vector<16xf32>,
        %get3A_276 = arith.constant 96 : index
        %get3A_277 = tpu.vector_load %arg19[%get3A_276] {strides = array<i32>} : memref<128xi32, #tpu.memory_space<vmem>>, vector<16xi32>,
        %broadcast_in_dim3A_278 = arith.constant 1.000000e+00 : f32
        %broadcast_in_dim3A_279 = vector.broadcast %broadcast_in_dim3A_278 : f32 to vector<16xf32>
        tpu.vector_store_idx %arg31[%get3A_277], %broadcast_in_dim3A_279 {add = true} : memref<5120xf32, #tpu.memory_space<vmem>>[vector<16xi32>], vector<16xf32>,
        %get3A_280 = arith.constant 112 : index
        %get3A_281 = tpu.vector_load %arg19[%get3A_280] {strides = array<i32>} : memref<128xi32, #tpu.memory_space<vmem>>, vector<16xi32>,
        %broadcast_in_dim3A_282 = arith.constant 1.000000e+00 : f32
        %broadcast_in_dim3A_283 = vector.broadcast %broadcast_in_dim3A_282 : f32 to vector<16xf32>
        tpu.vector_store_idx %arg31[%get3A_281], %broadcast_in_dim3A_283 {add = true} : memref<5120xf32, #tpu.memory_space<vmem>>[vector<16xi32>], vector<16xf32>,
      } else {
      }
      %add3A_207 = arith.constant 2 : i32
      %add3A_208 = arith.addi %add3A_73, %add3A_207 : i32
      %add3A_209 = arith.constant 3 : i32
      %add3A_210 = arith.addi %add3A_208, %add3A_209 : i32
      %mul3A_211 = arith.constant 32 : i32
      %mul3A_212 = arith.muli %add3A_210, %mul3A_211 : i32
      %add3A_213 = arith.addi %mul3A_212, %add3A : i32
      %lt3A_214 = arith.constant 2500 : i32
      %lt3A_215 = arith.cmpi slt, %add3A_213, %lt3A_214 : i32
      %convert_element_type3A_216 = arith.extui %lt3A_215 : i1 to i32
      %cond3A_217 = arith.constant 0 : i32
      %cond3A_218 = arith.cmpi ne, %convert_element_type3A_216, %cond3A_217 : i32
      scf.if %cond3A_218 {
        %mul3A_219 = arith.constant 128 : i32
        %mul3A_220 = arith.muli %add3A_213, %mul3A_219 : i32
        %dma_start3A = tpu.memref_slice %arg3[%mul3A_220] : memref<320000xi32, #tpu.memory_space<hbm>> -> memref<128xi32, #tpu.memory_space<hbm>>
        %dma_start3A_221 = tpu.memref_slice %arg3[%mul3A_220] : memref<320000xi32, #tpu.memory_space<hbm>> -> memref<128xi32, #tpu.memory_space<hbm>>
        tpu.enqueue_dma source(%dma_start3A_221 : memref<128xi32, #tpu.memory_space<hbm>>) target(%arg17 : memref<128xi32, #tpu.memory_space<vmem>>) target_semaphore(%arg24 : memref<!tpu.dma_semaphore, #tpu.memory_space<semaphore_mem>>)
        %dma_start3A_222 = tpu.memref_slice %arg4[%mul3A_220] : memref<320000xi32, #tpu.memory_space<hbm>> -> memref<128xi32, #tpu.memory_space<hbm>>
        %dma_start3A_223 = tpu.memref_slice %arg4[%mul3A_220] : memref<320000xi32, #tpu.memory_space<hbm>> -> memref<128xi32, #tpu.memory_space<hbm>>
        tpu.enqueue_dma source(%dma_start3A_223 : memref<128xi32, #tpu.memory_space<hbm>>) target(%arg18 : memref<128xi32, #tpu.memory_space<vmem>>) target_semaphore(%arg24 : memref<!tpu.dma_semaphore, #tpu.memory_space<semaphore_mem>>)
      } else {
      }
    }
    %scan3A_55 = arith.constant 27 : i32
    %add3A_56 = arith.constant 2560 : i32
    %add3A_57 = arith.addi %add3A_56, %add3A : i32
    %lt3A_58 = arith.constant 2500 : i32
    %lt3A_59 = arith.cmpi slt, %add3A_57, %lt3A_58 : i32
    %and3A_60 = arith.constant true
    %and3A_61 = arith.andi %and3A_60, %lt3A_59 : i1
    %convert_element_type3A_62 = arith.extui %and3A_61 : i1 to i32
    %cond3A_63 = arith.constant 0 : i32
    %cond3A_64 = arith.cmpi ne, %convert_element_type3A_62, %cond3A_63 : i32
    scf.if %cond3A_64 {
      %dma_wait3A = arith.constant 0 : i32
      %dma_wait3A_69 = arith.constant 0 : i32
      %dma_wait3A_70 = tpu.memref_slice %arg21[%dma_wait3A, %dma_wait3A_69] : memref<5120x128xf32, #tpu.memory_space<vmem_shared>> -> memref<5120x128xf32, #tpu.memory_space<vmem_shared>>
      tpu.wait_indirect_dma semaphore(%arg30 : memref<!tpu.dma_semaphore, #tpu.memory_space<semaphore_mem>>) src(%arg20 : memref<128x128xf32, #tpu.memory_space<vmem>>) dst(%dma_wait3A_70 : memref<5120x128xf32, #tpu.memory_space<vmem_shared>>)
    } else {
    }
    %barrier3A_65 = arith.constant 0 : index
    tpu.barrier barrier_id(%barrier3A_65)
    %mul3A_66 = arith.constant 5120 : i32
    %mul3A_67 = arith.muli %arg0, %mul3A_66 : i32
    %add3A_68 = arith.addi %mul3A_67, %mul3A_2 : i32
    "tpu.region"() ({
      %run_scoped3A = tpu.sem_alloc : memref<!tpu.dma_semaphore, #tpu.memory_space<semaphore_mem>>
      %dma_start3A = arith.constant 0 : i32
      %dma_start3A_69 = tpu.memref_slice %arg7[%add3A_68, %dma_start3A] : memref<10240x128xf32, #tpu.memory_space<hbm>> -> memref<320x128xf32, #tpu.memory_space<hbm>>
      %dma_start3A_70 = arith.constant 0 : i32
      %dma_start3A_71 = tpu.memref_slice %arg21[%mul3A_2, %dma_start3A_70] : memref<5120x128xf32, #tpu.memory_space<vmem_shared>> -> memref<320x128xf32, #tpu.memory_space<vmem_shared>>
      tpu.enqueue_dma source(%dma_start3A_71 : memref<320x128xf32, #tpu.memory_space<vmem_shared>>) target(%dma_start3A_69 : memref<320x128xf32, #tpu.memory_space<hbm>>) target_semaphore(%run_scoped3A : memref<!tpu.dma_semaphore, #tpu.memory_space<semaphore_mem>>)
      %dma_wait3A = arith.constant 0 : i32
      %dma_wait3A_72 = tpu.memref_slice %arg7[%add3A_68, %dma_wait3A] : memref<10240x128xf32, #tpu.memory_space<hbm>> -> memref<320x128xf32, #tpu.memory_space<hbm>>
      %dma_wait3A_73 = arith.constant 0 : i32
      %dma_wait3A_74 = tpu.memref_slice %arg21[%mul3A_2, %dma_wait3A_73] : memref<5120x128xf32, #tpu.memory_space<vmem_shared>> -> memref<320x128xf32, #tpu.memory_space<vmem_shared>>
      tpu.wait_dma2 semaphore(%run_scoped3A : memref<!tpu.dma_semaphore, #tpu.memory_space<semaphore_mem>>) src(%dma_wait3A_74 : memref<320x128xf32, #tpu.memory_space<vmem_shared>>) dst(%dma_wait3A_72 : memref<320x128xf32, #tpu.memory_space<hbm>>)
      tpu.yield
    }) : () -> ()
    "tpu.region"() ({
      %run_scoped3A = tpu.sem_alloc : memref<!tpu.dma_semaphore, #tpu.memory_space<semaphore_mem>>
      %dma_start3A = arith.constant 0 : i32
      %dma_start3A_69 = tpu.memref_slice %arg8[%add3A, %dma_start3A] : memref<32x5120xf32, #tpu.memory_space<hbm>> -> memref<1x5120xf32, #tpu.memory_space<hbm>>
      %dma_start3A_70 = tpu.memref_squeeze %dma_start3A_69 : memref<1x5120xf32, #tpu.memory_space<hbm>> -> memref<5120xf32, #tpu.memory_space<hbm>>
      %dma_start3A_71 = arith.constant 0 : i32
      %dma_start3A_72 = tpu.memref_slice %arg8[%add3A, %dma_start3A_71] : memref<32x5120xf32, #tpu.memory_space<hbm>> -> memref<1x5120xf32, #tpu.memory_space<hbm>>
      %dma_start3A_73 = tpu.memref_squeeze %dma_start3A_72 : memref<1x5120xf32, #tpu.memory_space<hbm>> -> memref<5120xf32, #tpu.memory_space<hbm>>
      tpu.enqueue_dma source(%arg31 : memref<5120xf32, #tpu.memory_space<vmem>>) target(%dma_start3A_73 : memref<5120xf32, #tpu.memory_space<hbm>>) target_semaphore(%run_scoped3A : memref<!tpu.dma_semaphore, #tpu.memory_space<semaphore_mem>>)
      %dma_wait3A = arith.constant 0 : i32
      %dma_wait3A_74 = tpu.memref_slice %arg8[%add3A, %dma_wait3A] : memref<32x5120xf32, #tpu.memory_space<hbm>> -> memref<1x5120xf32, #tpu.memory_space<hbm>>
      %dma_wait3A_75 = tpu.memref_squeeze %dma_wait3A_74 : memref<1x5120xf32, #tpu.memory_space<hbm>> -> memref<5120xf32, #tpu.memory_space<hbm>>
      %dma_wait3A_76 = arith.constant 0 : i32
      %dma_wait3A_77 = tpu.memref_slice %arg8[%add3A, %dma_wait3A_76] : memref<32x5120xf32, #tpu.memory_space<hbm>> -> memref<1x5120xf32, #tpu.memory_space<hbm>>
      %dma_wait3A_78 = tpu.memref_squeeze %dma_wait3A_77 : memref<1x5120xf32, #tpu.memory_space<hbm>> -> memref<5120xf32, #tpu.memory_space<hbm>>
      tpu.wait_dma2 semaphore(%run_scoped3A : memref<!tpu.dma_semaphore, #tpu.memory_space<semaphore_mem>>) src(%arg31 : memref<5120xf32, #tpu.memory_space<vmem>>) dst(%dma_wait3A_78 : memref<5120xf32, #tpu.memory_space<hbm>>)
      tpu.yield
    }) : () -> ()
    return
  }
}

module attributes {stable_mosaic.version = 14 : i64} {
  func.func @body(%arg0: i32, %arg1: memref<512x128xf32, #tpu.memory_space<vmem>>, %arg2: memref<512x128xf32, #tpu.memory_space<vmem>>, %arg3: memref<32x512xf32, #tpu.memory_space<vmem>>, %arg4: memref<512x1xf32, #tpu.memory_space<vmem>>, %arg5: memref<512x128xf32, #tpu.memory_space<vmem>>) attributes {dimension_semantics = [#tpu.dimension_semantics<arbitrary>], iteration_bounds = array<i64: 10>, scalar_prefetch = 0 : i64, scratch_operands = 0 : i64, tpu.core_type = #tpu.core_type<tc>, window_params = [{transform_indices = @transform_0, window_bounds = array<i64: 512, 128>}, {transform_indices = @transform_1, window_bounds = array<i64: 512, 128>}, {transform_indices = @transform_2, window_bounds = array<i64: 32, 512>}, {transform_indices = @transform_3, window_bounds = array<i64: 512, 1>}, {transform_indices = @transform_4, window_bounds = array<i64: 512, 128>}]} {
    %broadcast_in_dim3A = arith.constant 1.000000e+00 : f32
    %broadcast_in_dim3A_0 = vector.broadcast %broadcast_in_dim3A : f32 to vector<32x1xf32>
    %get3A = arith.constant 0 : index
    %get3A_1 = arith.constant 0 : index
    %get3A_2 = vector.load %arg3[%get3A, %get3A_1] : memref<32x512xf32, #tpu.memory_space<vmem>>, vector<32x512xf32>
    %dot_general3A = arith.constant dense<0.000000e+00> : vector<512x1xf32>
    %dot_general3A_3 = tpu.matmul %get3A_2, %broadcast_in_dim3A_0, %dot_general3A {dimension_numbers = #tpu.dot_dimension_numbers<[0], [0], [1], [1], [0, 1, 1, 1], [], []>, precision = #tpu.contract_precision<fp32>, transpose_lhs_hint = false} : vector<32x512xf32>, vector<32x1xf32>, vector<512x1xf32> -> vector<512x1xf32>
    %get3A_4 = arith.constant 0 : index
    %get3A_5 = arith.constant 0 : index
    %get3A_6 = vector.load %arg1[%get3A_4, %get3A_5] : memref<512x128xf32, #tpu.memory_space<vmem>>, vector<512x128xf32>
    %get3A_7 = arith.constant 0 : index
    %get3A_8 = arith.constant 0 : index
    %get3A_9 = vector.load %arg2[%get3A_7, %get3A_8] : memref<512x128xf32, #tpu.memory_space<vmem>>, vector<512x128xf32>
    %add3A = arith.addf %get3A_6, %get3A_9 : vector<512x128xf32>
    %max3A = arith.constant 1.000000e+00 : f32
    %max3A_10 = vector.broadcast %max3A : f32 to vector<512x1xf32>
    %max3A_11 = arith.maximumf %dot_general3A_3, %max3A_10 : vector<512x1xf32>
    %div3A = vector.broadcast %max3A_11 : vector<512x1xf32> to vector<512x128xf32>
    %div3A_12 = arith.divf %add3A, %div3A : vector<512x128xf32>
    %get3A_13 = arith.constant 0 : index
    %get3A_14 = arith.constant 0 : index
    %get3A_15 = vector.load %arg4[%get3A_13, %get3A_14] : memref<512x1xf32, #tpu.memory_space<vmem>>, vector<512x1xf32>
    %mul3A = vector.broadcast %get3A_15 : vector<512x1xf32> to vector<512x128xf32>
    %mul3A_16 = arith.mulf %div3A_12, %mul3A : vector<512x128xf32>
    %swap3A = arith.constant 0 : index
    %swap3A_17 = arith.constant 0 : index
    %swap3A_18 = vector.load %arg5[%swap3A, %swap3A_17] : memref<512x128xf32, #tpu.memory_space<vmem>>, vector<512x128xf32>
    tpu.vector_store %arg5[%swap3A, %swap3A_17], %mul3A_16 {strides = array<i32>} : memref<512x128xf32, #tpu.memory_space<vmem>>, vector<512x128xf32>,
    return
  }
  func.func @transform_0(%arg0: i32) -> (i32, i32) {
    %c0_i32 = arith.constant 0 : i32
    %c0_i32_0 = arith.constant 0 : i32
    return %arg0, %c0_i32 : i32, i32
  }
  func.func @transform_1(%arg0: i32) -> (i32, i32) {
    %add3A = arith.constant 10 : i32
    %add3A_0 = arith.addi %arg0, %add3A : i32
    %c0_i32 = arith.constant 0 : i32
    %c0_i32_1 = arith.constant 0 : i32
    return %add3A_0, %c0_i32 : i32, i32
  }
  func.func @transform_2(%arg0: i32) -> (i32, i32) {
    %c0_i32 = arith.constant 0 : i32
    %c0_i32_0 = arith.constant 0 : i32
    return %c0_i32, %arg0 : i32, i32
  }
  func.func @transform_3(%arg0: i32) -> (i32, i32) {
    %c0_i32 = arith.constant 0 : i32
    %c0_i32_0 = arith.constant 0 : i32
    return %arg0, %c0_i32 : i32, i32
  }
  func.func @transform_4(%arg0: i32) -> (i32, i32) {
    %c0_i32 = arith.constant 0 : i32
    %c0_i32_0 = arith.constant 0 : i32
    return %arg0, %c0_i32 : i32, i32
  }
}

module attributes {stable_mosaic.version = 14 : i64} {
  func.func @body(%arg0: i32, %arg1: memref<2xf32, #tpu.memory_space<smem>>, %arg2: memref<632x128xf32, #tpu.memory_space<vmem>>, %arg3: memref<632x128xf32, #tpu.memory_space<vmem>>, %arg4: memref<632x1xf32, #tpu.memory_space<vmem>>, %arg5: memref<632x128xf32, #tpu.memory_space<vmem>>, %arg6: memref<128x128xf32, #tpu.memory_space<vmem>>, %arg7: memref<632x128xf32, #tpu.memory_space<vmem>>) attributes {dimension_semantics = [#tpu.dimension_semantics<arbitrary>], iteration_bounds = array<i64: 16>, scalar_prefetch = 0 : i64, scratch_operands = 0 : i64, tpu.core_type = #tpu.core_type<tc>, window_params = [{transform_indices = @transform_0, window_bounds = array<i64: 2>}, {transform_indices = @transform_1, window_bounds = array<i64: 632, 128>}, {transform_indices = @transform_2, window_bounds = array<i64: 632, 128>}, {transform_indices = @transform_3, window_bounds = array<i64: 632, 1>}, {transform_indices = @transform_4, window_bounds = array<i64: 632, 128>}, {pipeline_mode = #tpu.pipeline_mode<synchronous>, transform_indices = @transform_5, window_bounds = array<i64: 128, 128>}, {transform_indices = @transform_6, window_bounds = array<i64: 632, 128>}]} {
    %get3A = arith.constant 0 : index
    %get3A_0 = memref.load %arg1[%get3A] : memref<2xf32, #tpu.memory_space<smem>>
    %get3A_1 = arith.constant 1 : index
    %get3A_2 = memref.load %arg1[%get3A_1] : memref<2xf32, #tpu.memory_space<smem>>
    %get3A_3 = arith.constant 0 : index
    %get3A_4 = arith.constant 0 : index
    %get3A_5 = vector.load %arg2[%get3A_3, %get3A_4] : memref<632x128xf32, #tpu.memory_space<vmem>>, vector<632x128xf32>
    %get3A_6 = arith.constant 0 : index
    %get3A_7 = arith.constant 0 : index
    %get3A_8 = vector.load %arg3[%get3A_6, %get3A_7] : memref<632x128xf32, #tpu.memory_space<vmem>>, vector<632x128xf32>
    %add3A = arith.addf %get3A_5, %get3A_8 : vector<632x128xf32>
    %get3A_9 = arith.constant 0 : index
    %get3A_10 = arith.constant 0 : index
    %get3A_11 = vector.load %arg4[%get3A_9, %get3A_10] : memref<632x1xf32, #tpu.memory_space<vmem>>, vector<632x1xf32>
    %mul3A = vector.broadcast %get3A_11 : vector<632x1xf32> to vector<632x128xf32>
    %mul3A_12 = arith.mulf %add3A, %mul3A : vector<632x128xf32>
    %mul3A_13 = arith.mulf %mul3A_12, %mul3A_12 : vector<632x128xf32>
    %reduce_sum3A = arith.constant dense<0.000000e+00> : vector<632xf32>
    %reduce_sum3A_14 = vector.multi_reduction <add>, %mul3A_13, %reduce_sum3A [1] : vector<632x128xf32> to vector<632xf32>
    %broadcast_in_dim3A = vector.shape_cast %reduce_sum3A_14 : vector<632xf32> to vector<632x1xf32>
    %sqrt3A = math.sqrt %broadcast_in_dim3A : vector<632x1xf32>
    %gt3A = arith.constant 0.000000e+00 : f32
    %gt3A_15 = vector.broadcast %gt3A : f32 to vector<632x1xf32>
    %gt3A_16 = arith.cmpf ogt, %sqrt3A, %gt3A_15 : vector<632x1xf32>
    %div3A = arith.constant 1.000000e+00 : f32
    %div3A_17 = vector.broadcast %div3A : f32 to vector<632x1xf32>
    %div3A_18 = arith.divf %div3A_17, %sqrt3A : vector<632x1xf32>
    %jit3A = arith.constant 0.000000e+00 : f32
    %broadcast_in_dim3A_19 = vector.broadcast %jit3A : f32 to vector<632x1xf32>
    %select_n3A = arith.select %gt3A_16, %div3A_18, %broadcast_in_dim3A_19 : vector<632x1xi1>, vector<632x1xf32>
    %mul3A_20 = vector.broadcast %select_n3A : vector<632x1xf32> to vector<632x128xf32>
    %mul3A_21 = arith.mulf %mul3A_12, %mul3A_20 : vector<632x128xf32>
    %sub3A = arith.constant 1.000000e+00 : f32
    %sub3A_22 = arith.subf %sub3A, %get3A_0 : f32
    %mul3A_23 = vector.broadcast %sub3A_22 : f32 to vector<632x128xf32>
    %mul3A_24 = arith.mulf %mul3A_23, %mul3A_21 : vector<632x128xf32>
    %get3A_25 = arith.constant 0 : index
    %get3A_26 = arith.constant 0 : index
    %get3A_27 = vector.load %arg5[%get3A_25, %get3A_26] : memref<632x128xf32, #tpu.memory_space<vmem>>, vector<632x128xf32>
    %mul3A_28 = vector.broadcast %get3A_0 : f32 to vector<632x128xf32>
    %mul3A_29 = arith.mulf %mul3A_28, %get3A_27 : vector<632x128xf32>
    %add3A_30 = arith.addf %mul3A_24, %mul3A_29 : vector<632x128xf32>
    %get3A_31 = arith.constant 0 : index
    %get3A_32 = arith.constant 0 : index
    %get3A_33 = vector.load %arg6[%get3A_31, %get3A_32] : memref<128x128xf32, #tpu.memory_space<vmem>>, vector<128x128xf32>
    %dot_general3A = arith.constant dense<0.000000e+00> : vector<632x128xf32>
    %dot_general3A_34 = tpu.matmul %add3A_30, %get3A_33, %dot_general3A {dimension_numbers = #tpu.dot_dimension_numbers<[1], [1], [0], [0], [0, 0, 1, 0], [], []>, precision = #tpu.contract_precision<fp32>, transpose_lhs_hint = false} : vector<632x128xf32>, vector<128x128xf32>, vector<632x128xf32> -> vector<632x128xf32>
    %sub3A_35 = arith.constant 1.000000e+00 : f32
    %sub3A_36 = arith.subf %sub3A_35, %get3A_2 : f32
    %mul3A_37 = vector.broadcast %sub3A_36 : f32 to vector<632x128xf32>
    %mul3A_38 = arith.mulf %mul3A_37, %add3A_30 : vector<632x128xf32>
    %mul3A_39 = vector.broadcast %get3A_2 : f32 to vector<632x128xf32>
    %mul3A_40 = arith.mulf %mul3A_39, %dot_general3A_34 : vector<632x128xf32>
    %add3A_41 = arith.addf %mul3A_38, %mul3A_40 : vector<632x128xf32>
    %swap3A = arith.constant 0 : index
    %swap3A_42 = arith.constant 0 : index
    %swap3A_43 = vector.load %arg7[%swap3A, %swap3A_42] : memref<632x128xf32, #tpu.memory_space<vmem>>, vector<632x128xf32>
    tpu.vector_store %arg7[%swap3A, %swap3A_42], %add3A_41 {strides = array<i32>} : memref<632x128xf32, #tpu.memory_space<vmem>>, vector<632x128xf32>,
    return
  }
  func.func @transform_0(%arg0: i32) -> i32 {
    %c0_i32 = arith.constant 0 : i32
    %c0_i32_0 = arith.constant 0 : i32
    return %c0_i32 : i32
  }
  func.func @transform_1(%arg0: i32) -> (i32, i32) {
    %c0_i32 = arith.constant 0 : i32
    %c0_i32_0 = arith.constant 0 : i32
    return %arg0, %c0_i32 : i32, i32
  }
  func.func @transform_2(%arg0: i32) -> (i32, i32) {
    %add3A = arith.constant 16 : i32
    %add3A_0 = arith.addi %arg0, %add3A : i32
    %c0_i32 = arith.constant 0 : i32
    %c0_i32_1 = arith.constant 0 : i32
    return %add3A_0, %c0_i32 : i32, i32
  }
  func.func @transform_3(%arg0: i32) -> (i32, i32) {
    %c0_i32 = arith.constant 0 : i32
    %c0_i32_0 = arith.constant 0 : i32
    return %arg0, %c0_i32 : i32, i32
  }
  func.func @transform_4(%arg0: i32) -> (i32, i32) {
    %c0_i32 = arith.constant 0 : i32
    %c0_i32_0 = arith.constant 0 : i32
    return %arg0, %c0_i32 : i32, i32
  }
  func.func @transform_5(%arg0: i32) -> (i32, i32) {
    %c0_i32 = arith.constant 0 : i32
    %c0_i32_0 = arith.constant 0 : i32
    %c0_i32_1 = arith.constant 0 : i32
    return %c0_i32, %c0_i32_0 : i32, i32
  }
  func.func @transform_6(%arg0: i32) -> (i32, i32) {
    %c0_i32 = arith.constant 0 : i32
    %c0_i32_0 = arith.constant 0 : i32
    return %arg0, %c0_i32 : i32, i32
  }
}

</mosaic_0001>

<sc_bundles>
// kernel: kernel.6.cloned.1.call-start
scs
__scs_entry_jumppad:
0x0: {  	(pc) =	sbr.rel $0x88, $3  }
0x1: {  	(tag) =	ssettag $0x0;
	lr =	simm.s32 $0x1  }
0x2: {  	[smem:$0x3F98] =	sst lr;
	_ =	strace $0xD0000000  }
0x3: {  	_ = 	snop  }
0x4: {  	_ = 	snop  }
0x5: {  	_ = 	snop  }
0x6: {  	_ = 	snop  }
0x7: {  	_ = 	snop  }
__scs_overlays_trampoline_lowered:
0x8: {  	[smem:$0x3FA7] =	sst s0  }
0x9: {  	[smem:$0x3FA8] =	sst s1  }
0xa: {  	[smem:$0x3FA9] =	sst s2  }
0xb: {  	[smem:$0x3FAA] =	sst s3  }
0xc: {  	[smem:$0x3FAB] =	sst s4  }
0xd: {  	[smem:$0x3FAC] =	sst s5  }
0xe: {  	[smem:$0x3FAD] =	sst s6  }
0xf: {  	[smem:$0x3FAE] =	sst s7  }
0x10: {  	[smem:$0x3FAF] =	sst s8  }
0x11: {  	[smem:$0x3FB0] =	sst s9;
	s0 =	simm.s32 @!p0 $0x0  }
0x12: {  	s1 =	sld [smem:$0x3F96];
	s0 =	simm.s32 @p0 $0x1  }
0x13: {  	[smem:$0x3FB1] =	sst s0;
	s0 =	simm.s32 @!p1 $0x0  }
0x14: {  	s2 =	sld [smem:$0x3F95];
	s0 =	simm.s32 @p1 $0x1  }
0x15: {  	[smem:$0x3FB2] =	sst s0;
	s0 =	simm.s32 @!p2 $0x0  }
0x16: {  	s3 =	sld [smem:$0x3FDB];
	s0 =	simm.s32 @p2 $0x1  }
0x17: {  	s4 =	simm.s32 $0x1BF5;
	[smem:$0x3FB4] =	sst s0  }
0x18: {  	s0 =	sld [smem:$0x3F97];
	_ =	swait.ge [sflag:s4], $0x0  }
0x19: {  	s7 =	sld [smem:$0x3F98]  }
0x1a: {  	s8 =	sadd.s32 $0xFFFFE003, lr  }
0x1b: {  	s9 =	sadd.s32 $0xFFFFFEF7, lr;
	s5 =	simm.s32 $0xFFFFFFFF;
	p2 =	slt.u32 s8, $0xFFFFF086  }
0x1c: {  	p1 =	slt.u32 s9, $0xF7A;
	s5 =	simm.s32 @!p2 $0x0  }
0x1d: {  	s5 =	simm.s32 @p1 $0x1;
	p0 =	seq.s32 s7, s2  }
0x1e: {  	s7 =	smul.u32 @!p0 $0xF7A, s2;
	p2 =	seq.s32 @!p0 s5, $0x0  }
0x1f: {  	s9 =	smul.u32 $0xF7A, s1;
	s8 =	simm.s32 @!p0 $0x1BF5;
	p2 =	por !p2, p0  }
0x20: {  	[sflag:s8] =	ssyncset.s32 @!p0 $0xFFFFF086;
	s6 =	sadd.s32 @!p0 s3, s7;
	s7 =	simm.s32 @!p0 $0x108  }
0x21: {  	s3 =	sadd.s32 s3, s9;
	s6 =	sadd.s32 @!p0 $0x88, s6;
	s7 =	simm.s32 @p2 $0x1082  }
0x22: {  	[simem:s7], [sflag:s8] =	dma.local @!p0 [hbm:s6], $0xF7A  }
0x23: {  	s9 =	sor.u32 $0xD0000000, s2;
	s6 =	simm.s32 $0x108;
	_ =	swait.ge @!p0 [sflag:s8], $0x0  }
0x24: {  	s3 =	sadd.s32 $0x88, s3;
	s6 =	simm.s32 @!p1 $0x1082;
	[sflag:s4] =	ssyncset.s32 $0xFFFFF086  }
0x25: {  	[simem:s6], [sflag:s4] =	dma.local [hbm:s3], $0xF7A  }
0x26: {  	[smem:$0x3F98] =	sst s1;
	(tag) =	ssettag s2;
	_ =	strace s9  }
0x27: {  	s1 =	sld [smem:$0x3FA8]  }
0x28: {  	s2 =	sld [smem:$0x3FA9]  }
0x29: {  	s4 =	sld [smem:$0x3FAB]  }
0x2a: {  	p0 =	seq.s32 s5, $0x0;
	s5 =	sld [smem:$0x3FAC]  }
0x2b: {  	s6 =	sld [smem:$0x3FAD]  }
0x2c: {  	s7 =	sld [smem:$0x3FAE]  }
0x2d: {  	s3 =	simm.s32 $0x108;
	s8 =	sld [smem:$0x3FAF]  }
0x2e: {  	s3 =	simm.s32 @!p0 $0x1082;
	s9 =	sld [smem:$0x3FB0]  }
0x2f: {  	lr =	sadd.s32 s0, s3;
	s0 =	sld [smem:$0x3FA7]  }
0x30: {  	s3 =	sld [smem:$0x3FAA]  }
0x31: {  	[smem:$0x3FB3] =	sst s10  }
0x32: {  	s10 =	sld [smem:$0x3FB1];
	_ =	sdelay $0x3  }
0x33: {  	p0 =	seq.s32 s10, $0x1;
	s10 =	sld [smem:$0x3FB3];
	_ =	sdelay $0x3  }
0x34: {  	[smem:$0x3FB3] =	sst s10  }
0x35: {  	s10 =	sld [smem:$0x3FB2];
	_ =	sdelay $0x3  }
0x36: {  	p1 =	seq.s32 s10, $0x1;
	s10 =	sld [smem:$0x3FB3];
	_ =	sdelay $0x3  }
0x37: {  	[smem:$0x3FB3] =	sst s10  }
0x38: {  	s10 =	sld [smem:$0x3FB4]  }
0x39: {  	_ = 	snop;
	(pc) =	sbr.ind lr, $3  }
0x3a: {  	_ = 	snop  }
0x3b: {  	_ = 	snop  }
0x3c: {  	p2 =	seq.s32 s10, $0x1;
	s10 =	sld [smem:$0x3FB3]  }
0x3d: {  	_ =	shalt  }
0x3e: {  	_ =	shalt  }
0x3f: {  	_ =	shalt  }
0x40: {  	_ =	shalt  }
0x41: {  	_ =	shalt  }
0x42: {  	_ =	shalt  }
0x43: {  	_ =	shalt  }
0x44: {  	_ =	shalt  }
0x45: {  	_ =	shalt  }
0x46: {  	_ =	shalt  }
0x47: {  	_ =	shalt  }
0x48: {  	_ =	shalt  }
0x49: {  	_ =	shalt  }
0x4a: {  	_ =	shalt  }
0x4b: {  	_ =	shalt  }
0x4c: {  	_ =	shalt  }
0x4d: {  	_ =	shalt  }
0x4e: {  	_ =	shalt  }
0x4f: {  	_ =	shalt  }
0x50: {  	_ =	shalt  }
0x51: {  	_ =	shalt  }
0x52: {  	_ =	shalt  }
0x53: {  	_ =	shalt  }
0x54: {  	_ =	shalt  }
0x55: {  	_ =	shalt  }
0x56: {  	_ =	shalt  }
0x57: {  	_ =	shalt  }
0x58: {  	_ =	shalt  }
0x59: {  	_ =	shalt  }
0x5a: {  	_ =	shalt  }
0x5b: {  	_ =	shalt  }
0x5c: {  	_ =	shalt  }
0x5d: {  	_ =	shalt  }
0x5e: {  	_ =	shalt  }
0x5f: {  	_ =	shalt  }
0x60: {  	_ =	shalt  }
0x61: {  	_ =	shalt  }
0x62: {  	_ =	shalt  }
0x63: {  	_ =	shalt  }
0x64: {  	_ =	shalt  }
0x65: {  	_ =	shalt  }
0x66: {  	_ =	shalt  }
0x67: {  	_ =	shalt  }
0x68: {  	_ =	shalt  }
0x69: {  	_ =	shalt  }
0x6a: {  	_ =	shalt  }
0x6b: {  	_ =	shalt  }
0x6c: {  	_ =	shalt  }
0x6d: {  	_ =	shalt  }
0x6e: {  	_ =	shalt  }
0x6f: {  	_ =	shalt  }
0x70: {  	_ =	shalt  }
0x71: {  	_ =	shalt  }
0x72: {  	_ =	shalt  }
0x73: {  	_ =	shalt  }
0x74: {  	_ =	shalt  }
0x75: {  	_ =	shalt  }
0x76: {  	_ =	shalt  }
0x77: {  	_ =	shalt  }
0x78: {  	_ =	shalt  }
0x79: {  	_ =	shalt  }
0x7a: {  	_ =	shalt  }
0x7b: {  	_ =	shalt  }
0x7c: {  	_ =	shalt  }
0x7d: {  	_ =	shalt  }
0x7e: {  	_ =	shalt  }
0x7f: {  	_ =	shalt  }
0x80: {  	_ =	shalt  }
0x81: {  	_ =	shalt  }
0x82: {  	_ =	shalt  }
0x83: {  	_ =	shalt  }
0x84: {  	_ =	shalt  }
0x85: {  	_ =	shalt  }
0x86: {  	_ =	shalt  }
0x87: {  	_ =	shalt  }
.Lfunc_end0:
.L_simem_size_0:
called_computation_lowered:
.L_overlay_start_0:
0x88: {  	s2 =	sld [smem:$0x3FD9]  }
0x89: {  	s3 =	sld [smem:$0x3FFE];
	_ =	sdelay $0x1  }
0x8a: {  	s1 =	srdreg.scid  }
0x8b: {  	s0 =	sand.u32 $0x1, s1  }
0x8c: {  	s17 =	sshll.u32 s0, $0xA;
	s2 =	sadd.s32 s3, s2  }
0x8d: {  	s2 =	sadd.s32 s2, s17  }
0x8e: {  	[smem:$0x3FBF] =	sst s2  }
0x8f: {  	_ = 	snop  }
0x90: {  	s2 =	sld [smem:$0x3FC9]  }
0x91: {  	s18 =	sld [smem:$0x3FC8]  }
0x92: {  	s4 =	sld [smem:$0x3FC7]  }
0x93: {  	s5 =	sld [smem:$0x3FD0];
	(tm) =	ssettm $0x1  }
0x94: {  	s6 =	sld [smem:$0x3FFB];
	_ =	sdelay $0x3  }
0x95: {  	_ =	strace s6  }
0x96: {  	s6 =	sld [smem:$0x3FFC];
	_ =	sdelay $0x3  }
0x97: {  	_ =	strace s6  }
0x98: {  	s6 =	sld [smem:$0x3FFD];
	_ =	sdelay $0x3  }
0x99: {  	_ =	strace s6  }
0x9a: {  	_ =	strace $0x8FFFFFFF  }
0x9b: {  	s19 =	sld [smem:$0x3FDB];
	_ =	sdelay $0x1  }
0x9c: {  	s7 =	simm.s32 $_scs_section_size  }
0x9d: {  	s8 =	simm.s32 $_size__tile_overlayer_lowered;
	s9 =	simm.s32 $_tile_overlayer_lowered  }
0x9e: {  	s22 =	simm.s32 $0x1BFF;
	s21 =	sshll.u32 s9, $0x1;
	s6 =	sadd.s32 s7, s19  }
0x9f: {  	s10 =	simm.s32 $0x0;
	s20 =	sshll.u32 s8, $0x1;
	s8 =	sadd.s32 s21, s6  }
0xa0: {  	[timem:s10], [sflag:s22] =	dma.local [hbm:s8], s20  }
0xa1: {  	_ =	swait.ge [sflag:s22], s20  }
0xa2: {  	s7 =	ssub.s32 $0x0, s20;
	[sflag:s22] =	ssyncset.done $0x0  }
0xa3: {  	[sflag:s22] =	ssyncadd.s32 s7;
	_ =	sdelay $0x1  }
0xa4: {  	s23 =	simm.s32 $0x1B8B  }
0xa5: {  	_ =	swait.ge [sflag:s23], $0x1  }
0xa6: {  	[sflag:s23] =	ssyncset.done $0x0  }
0xa7: {  	s25 =	simm.s32 $0x1B8E;
	s24 =	sld [smem:$0x3FFE];
	[sflag:s23] =	ssyncadd.s32 $0xFFFFFFFF  }
0xa8: {  	s26 =	simm.s32 $execute0_lowered;
	[smem:$0x3FD2] =	sst s25  }
0xa9: {  	s8 =	sshll.u32 s26, $0x1;
	_ =	strace $0x80000046;
	[dreg:$0x1] =	wrdreg $0xFFFFFFFF  }
0xaa: {  	s28 =	simm.s32 $_size_execute0_lowered;
	s6 =	sadd.s32 s6, s8;
	[dreg:$0x0] =	wrdreg $0x0  }
0xab: {  	s8 =	sshll.u32 s28, $0x1;
	[dreg:$0x2] =	wrdreg s6  }
0xac: {  	[dreg:$0x3] =	wrdreg s8  }
0xad: {  	[dreg:$0x4] =	wrdreg $0xC0  }
0xae: {  	_ =	task [dreg:s10], $0x5FFFF  }
0xaf: {  	[dreg:$0x1] =	wrdreg $0xFFFFFFFF  }
0xb0: {  	[dreg:$0x0] =	wrdreg $0x60  }
0xb1: {  	[dreg:$0x2] =	wrdreg s2  }
0xb2: {  	[dreg:$0x3] =	wrdreg s18  }
0xb3: {  	[dreg:$0x4] =	wrdreg s4  }
0xb4: {  	[dreg:$0x5] =	wrdreg s5  }
0xb5: {  	[dreg:$0x6] =	wrdreg s24  }
0xb6: {  	[dreg:$0x7] =	wrdreg $0xC4800  }
0xb7: {  	[dreg:$0x8] =	wrdreg $0x9  }
0xb8: {  	_ =	task.clear_ibuf [dreg:s10], $0x9FFFF;
	_ =	strace $0x90000046  }
0xb9: {  	s29 =	simm.s32 $0x9;
	_ =	strace $0x80000048  }
0xba: {  	_ =	swait.ge [sflag:s29], $0x1  }
0xbb: {  	[sflag:s29] =	ssyncadd.s32 $0xFFFFFFFF  }
0xbc: {  	_ =	strace $0x90000048  }
0xbd: {  	_ =	sfence  }
0xbe: {  	s30 =	sld [smem:$0x0];
	_ =	sdelay $0x2  }
0xbf: {  	s31 =	sshll.u32 s1, $0xD;
	s1 =	sshrl.u32 s1, $0x2  }
0xc0: {  	s3 =	sand.u32 $0x4000, s31;
	s1 =	sadd.s32 s1, s30  }
0xc1: {  	s0 =	sor.u32 s3, s0;
	s1 =	sshll.u32 s1, $0x11  }
0xc2: {  	s0 =	sor.u32 s1, s0  }
0xc3: {  	s0 =	sadd.s32 $0x8F2B, s0  }
0xc4: {  	[sflag:s0] =	ssyncadd.remote.s32 $0x1  }
0xc5: {  	_ =	sfence.sel $0xFFFF  }
0xc6: {  	[dreg:$0x0] =	wrdreg $0xFFFFFFFF;
	(pc) =	sbr.abs _section_cstart, $3  }
0xc7: {  	[dreg:$0x1] =	wrdreg $0xFFFFFFFF  }
0xc8: {  	_ =	task.clear_ibuf [dreg:s10], $0x2FFFF;
	_ =	strace $0x9FFFFFFF  }
0xc9: {  	(tm) =	ssettm $0x7FFFFFFF  }
tec
execute0_lowered:
.L_overlay_start_1:
0x0: {  	(tag) =	ssettag $0x1  }
0x1: {  	s1 =	rddreg [dreg:$0x0]  }
0x2: {  	s0 =	rddreg [dreg:$0x1]  }
0x3: {  	s2 =	rddreg [dreg:$0x2]  }
0x4: {  	s6 =	rddreg [dreg:$0x3]  }
0x5: {  	s7 =	rddreg [dreg:$0x4]  }
0x6: {  	s3 =	rddreg [dreg:$0x5];
	s4 =	simm.s32 $0x0;
	s5 =	srdreg.scid  }
0x7: {  	s21 =	stileid.u32;
	s29 =	simm.s32 $0x1;
	s31 =	simm.s32 $0x2  }
0x8: {  	s19 =	sand.u32 $0x1, s5;
	s8 =	smul.u32 $0x1400, s21;
	s15 =	sshll.u32 s21, $0x1  }
0x9: {  	s10 =	sshrl.u32 s21, $0x2;
	[smem:$0x7FF] =	sst s4;
	s12 =	sadd.s32 $0x2000, s7  }
0xa: {  	s30 =	smul.u32 $0x28000, s21;
	s22 =	sshll.u32 s21, $0x6;
	s28 =	sshll.u32 s21, $0x5  }
0xb: {  	s21 =	simm.s32 $0xA;
	s9 =	smul.u32 $0x14000, s19;
	s5 =	sor.u32 s19, s15  }
0xc: {  	s10 =	smul.u32 $0xA000, s10;
	_ =	strace $0x80000047;
	[dreg:$0xa] =	wrdreg s12  }
0xd: {  	s12 =	ssub.s32 $0x2, s19;
	s26 =	ssub.s32 $0x9A4, s15;
	s11 =	sshll.u32 s5, $0x7  }
0xe: {  	s13 =	sshrl.u32 s12, $0x1;
	s14 =	sshrl.u32 s30, $0x2;
	s6 =	sadd.s32 s6, s8  }
0xf: {  	s23 =	sshll.u32 s5, $0x4;
	[dreg:$0x9] =	wrdreg s26;
	s30 =	sshll.u32 s19, $0x4  }
0x10: {  	s11 =	sand.u32 $0x380, s11;
	s9 =	sadd.s32 s8, s9;
	s18 =	ssub.s32 s12, s13  }
0x11: {  	s20 =	sadd.s32 s14, s3;
	[dreg:$0xc] =	wrdreg s6;
	s24 =	sadd.s32 s0, s23  }
0x12: {  	s25 =	sadd.s32 s2, s23;
	s13 =	sor.u32 $0x200, s23;
	s14 =	ssub.s32 $0x984, s15  }
0x13: {  	s6 =	sor.u32 $0x400, s23;
	s23 =	simm.s32 $0x80;
	[dreg:$0xb] =	wrdreg s20  }
0x14: {  	s10 =	sor.u32 s10, s11;
	s16 =	sadd.s32 s9, s7;
	[dreg:$0xd] =	wrdreg s24  }
0x15: {  	s9 =	sor.u32 $0x1C0A, s22;
	[dreg:$0xe] =	wrdreg s25;
	s12 =	sadd.s32 s0, s13  }
0x16: {  	s13 =	sadd.s32 s2, s13;
	[dreg:$0x7] =	wrdreg s14;
	s20 =	ssub.s32 $0x9C4, s15  }
0x17: {  	s14 =	sadd.s32 s0, s6;
	s15 =	sadd.s32 s2, s6;
	s18 =	smax.u32 s18, $0x1  }
0x18: {  	s2 =	sadd.s32 s28, s2;
	s0 =	sadd.s32 s28, s0;
	s22 =	simm.s32 $0x16480  }
0x19: {  	s24 =	simm.s32 $0x4180;
	s25 =	simm.s32 $0x0;
	s10 =	sshrl.u32 s10, $0x3  }
0x1a: {  	[dreg:$0x8] =	wrdreg s20;
	s16 =	sadd.s32 $0x2400, s16;
	s17 =	sadd.s32 s10, s7  }
0x1b: {  	s19 =	sadd.s32 s30, s2;
	s20 =	sadd.s32 s30, s0;
	s17 =	sadd.s32 $0x2A400, s17  }
.LBB2_1:
0x1c: {  	s0 =	rddreg [dreg:$0xb]  }
0x1d: {  	s8 =	rddreg [dreg:$0xc];
	s26 =	sshrl.u32 s0, $0x3  }
0x1e: {  	[spmem:s26], [sflag:s9] =	dma.local [hbm:s8], $0x1400  }
0x1f: {  	_ =	swait.ge [sflag:s21], $0x1400  }
0x20: {  	[sflag:s21] =	ssyncset.done $0x0  }
0x21: {  	s10 =	rddreg [dreg:$0xa];
	[sflag:s21] =	ssyncadd.s32 $0xFFFFEC00  }
0x22: {  	[tilespmem:s22], [sflag:$0xA] =	stream.linear.gather [hbm4b:s10+s4], $0x1400, $0x38;
	[tilespmem:$0x17880] =	vst v63  }
0x23: {  	_ =	swait.ge [sflag:s21], $0x1400  }
0x24: {  	[sflag:s21] =	ssyncset.done $0x0  }
0x25: {  	[sflag:s21] =	ssyncadd.s32 $0xFFFFEC00  }
0x26: {  	[bflag:$0x0] =	sbarrier.arrive $0xFFFF  }
0x27: {  	s11 =	rddreg [dreg:$0xd]  }
0x28: {  	[tilespmem:s4], [sflag:$0x1] =	stream.linear.gather [hbm4b:s11+s4], $0x80, $0x38;
	[tilespmem:$0x17880] =	vst v63  }
0x29: {  	s2 =	rddreg [dreg:$0xe]  }
0x2a: {  	[tilespmem:s23], [sflag:$0x1] =	stream.linear.gather [hbm4b:s2+s4], $0x80, $0x38;
	[tilespmem:$0x17880] =	vst v63  }
0x2b: {  	_ = 	snop  }
0x2c: {  	[tilespmem:s24], [sflag:$0x2] =	stream.linear.gather [hbm4b:s12+s4], $0x80, $0x38;
	[tilespmem:$0x17880] =	vst v63  }
0x2d: {  	s6 =	simm.s32 $0x4200  }
0x2e: {  	[tilespmem:s6], [sflag:$0x2] =	stream.linear.gather [hbm4b:s13+s4], $0x80, $0x38;
	[tilespmem:$0x17880] =	vst v63  }
0x2f: {  	s7 =	simm.s32 $0x8300  }
0x30: {  	[tilespmem:s7], [sflag:$0x3] =	stream.linear.gather [hbm4b:s14+s4], $0x80, $0x38;
	[tilespmem:$0x17880] =	vst v63  }
0x31: {  	s8 =	simm.s32 $0x8380  }
0x32: {  	[tilespmem:s8], [sflag:$0x3] =	stream.linear.gather [hbm4b:s15+s4], $0x80, $0x38;
	[tilespmem:$0x17880] =	vst v63  }
0x33: {  	_ =	swait.ge [sflag:s29], $0x80  }
0x34: {  	[sflag:s29] =	ssyncset.done $0x0  }
0x35: {  	[sflag:s29] =	ssyncadd.s32 $0xFFFFFF80  }
0x36: {  	_ =	swait.ge [sflag:s29], $0x80  }
0x37: {  	[sflag:s29] =	ssyncset.done $0x0  }
0x38: {  	s10 =	simm.s32 $0x180;
	[sflag:s29] =	ssyncadd.s32 $0xFFFFFF80  }
0x39: {  	[tilespmem:s10], [sflag:$0x4] =	stream.indirect.gather [hbm4b:s1+s23], $0x80, s4, s23, $0xb8;
	[tilespmem:$0x17880] =	vst v63  }
0x3a: {  	_ =	swait.ge [sflag:s31], $0x80  }
0x3b: {  	[sflag:s31] =	ssyncset.done $0x0  }
0x3c: {  	[sflag:s31] =	ssyncadd.s32 $0xFFFFFF80  }
0x3d: {  	_ =	swait.ge [sflag:s31], $0x80  }
0x3e: {  	s28 =	simm.s32 $0x0;
	[sflag:s31] =	ssyncset.done $0x0  }
0x3f: {  	s30 =	simm.s32 $0x0;
	s11 =	simm.s32 $0x4300;
	[sflag:s31] =	ssyncadd.s32 $0xFFFFFF80  }
0x40: {  	[tilespmem:s11], [sflag:$0x5] =	stream.indirect.gather [hbm4b:s1+s23], $0x80, s24, s23, $0xb8;
	[tilespmem:$0x17880] =	vst v63  }
.LBB2_2:
0x41: {  	p1 =	seq.s32 s30, $0x0  }
0x42: {  	s0 =	simm.s32 @!p1 $0x9  }
0x43: {  	_ =	swait.ge @!p1 [sflag:s0], $0x4000  }
0x44: {  	s2 =	rddreg [dreg:$0x7]  }
0x45: {  	[sflag:s0] =	ssyncset.done @!p1 $0x0;
	p0 =	sge.u32 s28, s2  }
0x46: {  	[sflag:s0] =	ssyncadd.s32 @!p1 $0xFFFFC000;
	s0 =	simm.s32 @!p0 $0x3  }
0x47: {  	_ =	swait.ge @!p0 [sflag:s0], $0x80  }
0x48: {  	[sflag:s0] =	ssyncset.done @!p0 $0x0  }
0x49: {  	[sflag:s0] =	ssyncadd.s32 @!p0 $0xFFFFFF80  }
0x4a: {  	s7 =	simm.s32 @!p0 $0x8300;
	_ =	swait.ge @!p0 [sflag:s0], $0x80  }
0x4b: {  	s2 =	simm.s32 @!p0 $0x8480;
	[sflag:s0] =	ssyncset.done @!p0 $0x0;
	s6 =	rddreg [dreg:$0x8]  }
0x4c: {  	[sflag:s0] =	ssyncadd.s32 @!p0 $0xFFFFFF80;
	s0 =	simm.s32 @!p0 $0x80;
	p1 =	sge.u32 s28, s6  }
0x4d: {  	[tilespmem:s2], [sflag:$0x6] =	stream.indirect.gather @!p0 [hbm4b:s1+s0], $0x80, s7, s0, $0xb8;
	[tilespmem:$0x17880] =	vst v63  }
0x4e: {  	s6 =	simm.s32 @!p1 $0x4  }
0x4f: {  	_ =	swait.ge @!p1 [sflag:s6], $0x4000  }
0x50: {  	[sflag:s6] =	ssyncset.done @!p1 $0x0  }
0x51: {  	[sflag:s6] =	ssyncadd.s32 @!p1 $0xFFFFC000  }
0x52: {  	v0 =	vld @!p1 [tilespmem:$0x80]  }
0x53: {  	v1 =	vld @!p1 [tilespmem:$0x90]  }
0x54: {  	v2 =	vld @!p1 [tilespmem:$0xA0]  }
0x55: {  	v3 =	vld @!p1 [tilespmem:$0xB0]  }
0x56: {  	v4 =	vld @!p1 [tilespmem:$0xC0]  }
0x57: {  	[tilespmem:$0x100] =	vst @!p1 v0;
	v0 =	vld @!p1 [tilespmem:$0xD0]  }
0x58: {  	[tilespmem:$0x110] =	vst @!p1 v1;
	v1 =	vld @!p1 [tilespmem:$0xE0]  }
0x59: {  	[tilespmem:$0x120] =	vst @!p1 v2;
	v2 =	vld @!p1 [tilespmem:$0xF0]  }
0x5a: {  	[tilespmem:$0x130] =	vst @!p1 v3  }
0x5b: {  	[tilespmem:$0x140] =	vst @!p1 v4  }
0x5c: {  	[tilespmem:$0x150] =	vst @!p1 v0  }
0x5d: {  	[tilespmem:$0x160] =	vst @!p1 v1  }
0x5e: {  	s7 =	simm.s32 @!p1 $0x100;
	s8 =	simm.s32 @!p1 $0x180;
	s6 =	simm.s32 @!p1 $0x80;
	[tilespmem:$0x170] =	vst @!p1 v2  }
0x5f: {  	[spmem:s3] =	stream.indirect.scatter.add.f32 @!p1 [tilespmem:s8], [sflag:$0x7], $0x80, s7, s6, $0xb8;
	[tilespmem:$0x17880] =	vst v63  }
0x60: {  	v0 =	vld @!p1 [tilespmem:$0x100];
	_ =	sdelay $0x6  }
0x61: {  	v1 =	vimm.f32 @!p1 $1.000000000e+00;
	s7 =	simm.s32 @!p1 $0x16480  }
0x62: {  	[tilespmem:v0+s7+$0x0] =	vst.idx.add.f32.msk @!p1 $0xffff, v1  }
0x63: {  	v0 =	vld @!p1 [tilespmem:$0x110];
	_ =	sdelay $0x7  }
0x64: {  	[tilespmem:v0+s7+$0x0] =	vst.idx.add.f32.msk @!p1 $0xffff, v1  }
0x65: {  	v0 =	vld @!p1 [tilespmem:$0x120];
	_ =	sdelay $0x7  }
0x66: {  	[tilespmem:v0+s7+$0x0] =	vst.idx.add.f32.msk @!p1 $0xffff, v1  }
0x67: {  	v0 =	vld @!p1 [tilespmem:$0x130];
	_ =	sdelay $0x7  }
0x68: {  	[tilespmem:v0+s7+$0x0] =	vst.idx.add.f32.msk @!p1 $0xffff, v1  }
0x69: {  	v0 =	vld @!p1 [tilespmem:$0x140];
	_ =	sdelay $0x7  }
0x6a: {  	[tilespmem:v0+s7+$0x0] =	vst.idx.add.f32.msk @!p1 $0xffff, v1  }
0x6b: {  	v0 =	vld @!p1 [tilespmem:$0x150];
	_ =	sdelay $0x7  }
0x6c: {  	[tilespmem:v0+s7+$0x0] =	vst.idx.add.f32.msk @!p1 $0xffff, v1  }
0x6d: {  	v0 =	vld @!p1 [tilespmem:$0x160];
	_ =	sdelay $0x7  }
0x6e: {  	[tilespmem:v0+s7+$0x0] =	vst.idx.add.f32.msk @!p1 $0xffff, v1  }
0x6f: {  	v0 =	vld @!p1 [tilespmem:$0x170];
	_ =	sdelay $0x3  }
0x70: {  	s6 =	sadd.s32 s28, s5  }
0x71: {  	s11 =	sadd.s32 $0x60, s6  }
0x72: {  	p2 =	sgt.u32 s11, $0x9C3  }
0x73: {  	s8 =	sadd.s32 @!p2 s30, s20  }
0x74: {  	[tilespmem:v0+s7+$0x0] =	vst.idx.add.f32.msk @!p1 $0xffff, v1;
	s7 =	sadd.s32 @!p2 $0x600, s8;
	s8 =	simm.s32 @!p2 $0x0  }
0x75: {  	[tilespmem:s8], [sflag:$0x1] =	stream.linear.gather @!p2 [hbm4b:s7+s8], $0x80, $0x38;
	[tilespmem:$0x17880] =	vst v63  }
0x76: {  	s7 =	sadd.s32 @!p2 s30, s19  }
0x77: {  	s10 =	simm.s32 @!p2 $0x80;
	s7 =	sadd.s32 @!p2 $0x600, s7  }
0x78: {  	[tilespmem:s10], [sflag:$0x1] =	stream.linear.gather @!p2 [hbm4b:s7+s8], $0x80, $0x38;
	[tilespmem:$0x17880] =	vst v63  }
0x79: {  	s7 =	simm.s32 @!p1 $0x7  }
0x7a: {  	_ =	swait.ge @!p1 [sflag:s7], $0x4000  }
0x7b: {  	[sflag:s7] =	ssyncset.done @!p1 $0x0  }
0x7c: {  	[sflag:s7] =	ssyncadd.s32 @!p1 $0xFFFFC000;
	s7 =	simm.s32 @!p2 $0x1  }
0x7d: {  	_ =	swait.ge @!p2 [sflag:s7], $0x80  }
0x7e: {  	[sflag:s7] =	ssyncset.done @!p2 $0x0  }
0x7f: {  	[sflag:s7] =	ssyncadd.s32 @!p2 $0xFFFFFF80  }
0x80: {  	_ =	swait.ge @!p2 [sflag:s7], $0x80  }
0x81: {  	[sflag:s7] =	ssyncset.done @!p2 $0x0;
	s11 =	rddreg [dreg:$0x9]  }
0x82: {  	[sflag:s7] =	ssyncadd.s32 @!p2 $0xFFFFFF80;
	s7 =	simm.s32 @!p2 $0x180;
	p1 =	sge.u32 s28, s11  }
0x83: {  	[tilespmem:s7], [sflag:$0x4] =	stream.indirect.gather @!p2 [hbm4b:s1+s10], $0x80, s8, s10, $0xb8;
	[tilespmem:$0x17880] =	vst v63  }
0x84: {  	s7 =	simm.s32 @!p1 $0x5  }
0x85: {  	_ =	swait.ge @!p1 [sflag:s7], $0x4000  }
0x86: {  	[sflag:s7] =	ssyncset.done @!p1 $0x0  }
0x87: {  	[sflag:s7] =	ssyncadd.s32 @!p1 $0xFFFFC000  }
0x88: {  	v0 =	vld @!p1 [tilespmem:$0x4200]  }
0x89: {  	v1 =	vld @!p1 [tilespmem:$0x4210]  }
0x8a: {  	v2 =	vld @!p1 [tilespmem:$0x4220]  }
0x8b: {  	v3 =	vld @!p1 [tilespmem:$0x4230]  }
0x8c: {  	v4 =	vld @!p1 [tilespmem:$0x4240]  }
0x8d: {  	[tilespmem:$0x4280] =	vst @!p1 v0;
	v0 =	vld @!p1 [tilespmem:$0x4250]  }
0x8e: {  	[tilespmem:$0x4290] =	vst @!p1 v1;
	v1 =	vld @!p1 [tilespmem:$0x4260]  }
0x8f: {  	[tilespmem:$0x42A0] =	vst @!p1 v2;
	v2 =	vld @!p1 [tilespmem:$0x4270]  }
0x90: {  	[tilespmem:$0x42B0] =	vst @!p1 v3  }
0x91: {  	[tilespmem:$0x42C0] =	vst @!p1 v4  }
0x92: {  	[tilespmem:$0x42D0] =	vst @!p1 v0  }
0x93: {  	[tilespmem:$0x42E0] =	vst @!p1 v1  }
0x94: {  	s8 =	simm.s32 @!p1 $0x4280;
	s10 =	simm.s32 @!p1 $0x4300;
	s7 =	simm.s32 @!p1 $0x80;
	[tilespmem:$0x42F0] =	vst @!p1 v2  }
0x95: {  	[spmem:s3] =	stream.indirect.scatter.add.f32 @!p1 [tilespmem:s10], [sflag:$0x8], $0x80, s8, s7, $0xb8;
	[tilespmem:$0x17880] =	vst v63  }
0x96: {  	v0 =	vld @!p1 [tilespmem:$0x4280];
	_ =	sdelay $0x6  }
0x97: {  	v1 =	vimm.f32 @!p1 $1.000000000e+00;
	s7 =	simm.s32 @!p1 $0x16480  }
0x98: {  	[tilespmem:v0+s7+$0x0] =	vst.idx.add.f32.msk @!p1 $0xffff, v1  }
0x99: {  	v0 =	vld @!p1 [tilespmem:$0x4290];
	_ =	sdelay $0x7  }
0x9a: {  	[tilespmem:v0+s7+$0x0] =	vst.idx.add.f32.msk @!p1 $0xffff, v1  }
0x9b: {  	v0 =	vld @!p1 [tilespmem:$0x42A0];
	_ =	sdelay $0x7  }
0x9c: {  	[tilespmem:v0+s7+$0x0] =	vst.idx.add.f32.msk @!p1 $0xffff, v1  }
0x9d: {  	v0 =	vld @!p1 [tilespmem:$0x42B0];
	_ =	sdelay $0x7  }
0x9e: {  	[tilespmem:v0+s7+$0x0] =	vst.idx.add.f32.msk @!p1 $0xffff, v1  }
0x9f: {  	v0 =	vld @!p1 [tilespmem:$0x42C0];
	_ =	sdelay $0x7  }
0xa0: {  	[tilespmem:v0+s7+$0x0] =	vst.idx.add.f32.msk @!p1 $0xffff, v1  }
0xa1: {  	v0 =	vld @!p1 [tilespmem:$0x42D0];
	_ =	sdelay $0x7  }
0xa2: {  	[tilespmem:v0+s7+$0x0] =	vst.idx.add.f32.msk @!p1 $0xffff, v1  }
0xa3: {  	v0 =	vld @!p1 [tilespmem:$0x42E0];
	_ =	sdelay $0x7  }
0xa4: {  	[tilespmem:v0+s7+$0x0] =	vst.idx.add.f32.msk @!p1 $0xffff, v1  }
0xa5: {  	v0 =	vld @!p1 [tilespmem:$0x42F0];
	_ =	sdelay $0x4  }
0xa6: {  	s10 =	sadd.s32 $0x80, s6  }
0xa7: {  	p2 =	sgt.u32 s10, $0x9C3  }
0xa8: {  	s8 =	sadd.s32 @!p2 s30, s20  }
0xa9: {  	s10 =	simm.s32 @!p2 $0x4180;
	[tilespmem:v0+s7+$0x0] =	vst.idx.add.f32.msk @!p1 $0xffff, v1;
	s7 =	sadd.s32 @!p2 $0x800, s8;
	s8 =	simm.s32 @!p2 $0x0  }
0xaa: {  	[tilespmem:s10], [sflag:$0x2] =	stream.linear.gather @!p2 [hbm4b:s7+s8], $0x80, $0x38;
	[tilespmem:$0x17880] =	vst v63  }
0xab: {  	s7 =	sadd.s32 @!p2 s30, s19  }
0xac: {  	s11 =	simm.s32 @!p2 $0x4200;
	s7 =	sadd.s32 @!p2 $0x800, s7  }
0xad: {  	[tilespmem:s11], [sflag:$0x2] =	stream.linear.gather @!p2 [hbm4b:s7+s8], $0x80, $0x38;
	[tilespmem:$0x17880] =	vst v63  }
0xae: {  	s7 =	simm.s32 @!p1 $0x8  }
0xaf: {  	_ =	swait.ge @!p1 [sflag:s7], $0x4000  }
0xb0: {  	[sflag:s7] =	ssyncset.done @!p1 $0x0  }
0xb1: {  	[sflag:s7] =	ssyncadd.s32 @!p1 $0xFFFFC000;
	s7 =	simm.s32 @!p2 $0x2  }
0xb2: {  	_ =	swait.ge @!p2 [sflag:s7], $0x80  }
0xb3: {  	[sflag:s7] =	ssyncset.done @!p2 $0x0  }
0xb4: {  	[sflag:s7] =	ssyncadd.s32 @!p2 $0xFFFFFF80  }
0xb5: {  	_ =	swait.ge @!p2 [sflag:s7], $0x80  }
0xb6: {  	[sflag:s7] =	ssyncset.done @!p2 $0x0  }
0xb7: {  	s8 =	simm.s32 @!p2 $0x4300;
	[sflag:s7] =	ssyncadd.s32 @!p2 $0xFFFFFF80;
	s7 =	simm.s32 @!p2 $0x80  }
0xb8: {  	[tilespmem:s8], [sflag:$0x5] =	stream.indirect.gather @!p2 [hbm4b:s1+s7], $0x80, s10, s7, $0xb8;
	[tilespmem:$0x17880] =	vst v63  }
0xb9: {  	s7 =	simm.s32 @!p0 $0x6  }
0xba: {  	_ =	swait.ge @!p0 [sflag:s7], $0x4000  }
0xbb: {  	[sflag:s7] =	ssyncset.done @!p0 $0x0  }
0xbc: {  	[sflag:s7] =	ssyncadd.s32 @!p0 $0xFFFFC000  }
0xbd: {  	v0 =	vld @!p0 [tilespmem:$0x8380]  }
0xbe: {  	v1 =	vld @!p0 [tilespmem:$0x8390]  }
0xbf: {  	v2 =	vld @!p0 [tilespmem:$0x83A0]  }
0xc0: {  	v3 =	vld @!p0 [tilespmem:$0x83B0]  }
0xc1: {  	v4 =	vld @!p0 [tilespmem:$0x83C0]  }
0xc2: {  	[tilespmem:$0x8400] =	vst @!p0 v0;
	v0 =	vld @!p0 [tilespmem:$0x83D0]  }
0xc3: {  	[tilespmem:$0x8410] =	vst @!p0 v1;
	v1 =	vld @!p0 [tilespmem:$0x83E0]  }
0xc4: {  	[tilespmem:$0x8420] =	vst @!p0 v2;
	v2 =	vld @!p0 [tilespmem:$0x83F0]  }
0xc5: {  	[tilespmem:$0x8430] =	vst @!p0 v3  }
0xc6: {  	[tilespmem:$0x8440] =	vst @!p0 v4  }
0xc7: {  	[tilespmem:$0x8450] =	vst @!p0 v0  }
0xc8: {  	[tilespmem:$0x8460] =	vst @!p0 v1  }
0xc9: {  	s7 =	simm.s32 @!p0 $0x8400;
	[tilespmem:$0x8470] =	vst @!p0 v2  }
0xca: {  	[spmem:s3] =	stream.indirect.scatter.add.f32 @!p0 [tilespmem:s2], [sflag:$0x9], $0x80, s7, s0, $0xb8;
	[tilespmem:$0x17880] =	vst v63  }
0xcb: {  	v0 =	vld @!p0 [tilespmem:$0x8400];
	_ =	sdelay $0x6  }
0xcc: {  	v1 =	vimm.f32 @!p0 $1.000000000e+00;
	s0 =	simm.s32 @!p0 $0x16480  }
0xcd: {  	[tilespmem:v0+s0+$0x0] =	vst.idx.add.f32.msk @!p0 $0xffff, v1  }
0xce: {  	v0 =	vld @!p0 [tilespmem:$0x8410];
	_ =	sdelay $0x7  }
0xcf: {  	[tilespmem:v0+s0+$0x0] =	vst.idx.add.f32.msk @!p0 $0xffff, v1  }
0xd0: {  	v0 =	vld @!p0 [tilespmem:$0x8420];
	_ =	sdelay $0x7  }
0xd1: {  	[tilespmem:v0+s0+$0x0] =	vst.idx.add.f32.msk @!p0 $0xffff, v1  }
0xd2: {  	v0 =	vld @!p0 [tilespmem:$0x8430];
	_ =	sdelay $0x7  }
0xd3: {  	[tilespmem:v0+s0+$0x0] =	vst.idx.add.f32.msk @!p0 $0xffff, v1  }
0xd4: {  	v0 =	vld @!p0 [tilespmem:$0x8440];
	_ =	sdelay $0x7  }
0xd5: {  	[tilespmem:v0+s0+$0x0] =	vst.idx.add.f32.msk @!p0 $0xffff, v1  }
0xd6: {  	v0 =	vld @!p0 [tilespmem:$0x8450];
	_ =	sdelay $0x7  }
0xd7: {  	[tilespmem:v0+s0+$0x0] =	vst.idx.add.f32.msk @!p0 $0xffff, v1  }
0xd8: {  	v0 =	vld @!p0 [tilespmem:$0x8460];
	_ =	sdelay $0x7  }
0xd9: {  	[tilespmem:v0+s0+$0x0] =	vst.idx.add.f32.msk @!p0 $0xffff, v1  }
0xda: {  	v0 =	vld @!p0 [tilespmem:$0x8470];
	_ =	sdelay $0x4  }
0xdb: {  	s11 =	sadd.s32 $0xA0, s6  }
0xdc: {  	p1 =	sgt.u32 s11, $0x9C3  }
0xdd: {  	s2 =	sadd.s32 @!p1 s30, s20  }
0xde: {  	s6 =	simm.s32 @!p1 $0x8300;
	[tilespmem:v0+s0+$0x0] =	vst.idx.add.f32.msk @!p0 $0xffff, v1;
	s0 =	sadd.s32 @!p1 $0xA00, s2;
	s2 =	simm.s32 @!p1 $0x0  }
0xdf: {  	[tilespmem:s6], [sflag:$0x3] =	stream.linear.gather @!p1 [hbm4b:s0+s2], $0x80, $0x38;
	[tilespmem:$0x17880] =	vst v63  }
0xe0: {  	s0 =	sadd.s32 @!p1 s30, s19;
	s30 =	sadd.s32 $0x600, s30  }
0xe1: {  	p0 =	sne.s32 s30, $0xA200  }
.Ltmp0:
0xe2: {  	_ = 	snop;
	(pc) =	sbr.rel @p0 .LBB2_2-.Ltmp0, $3  }
0xe3: {  	_ =	sdelay $0x1  }
0xe4: {  	s28 =	sadd.s32 $0x60, s28;
	s6 =	simm.s32 @!p1 $0x8380;
	s0 =	sadd.s32 @!p1 $0xA00, s0  }
0xe5: {  	[tilespmem:s6], [sflag:$0x3] =	stream.linear.gather @!p1 [hbm4b:s0+s2], $0x80, $0x38;
	[tilespmem:$0x17880] =	vst v63  }
0xe6: {  	[bflag:$0x0] =	sbarrier.arrive $0xFFFF  }
0xe7: {  	[hbm:s16], [sflag:s9] =	dma.local [spmem:s26], $0x1400  }
0xe8: {  	s25 =	sadd.s32 $0x1, s25;
	_ =	swait.ge [sflag:s21], $0x1400  }
0xe9: {  	p0 =	sne.s32 s25, s18;
	[sflag:s21] =	ssyncset.done $0x0  }
.Ltmp1:
0xea: {  	s0 =	simm.s32 $0x400;
	[sflag:s21] =	ssyncadd.s32 $0xFFFFEC00;
	(pc) =	sbr.rel @p0 .LBB2_1-.Ltmp1, $4  }
0xeb: {  	[hbm4b:s17+s23] =	stream.strided.scatter [tilespmem:s22], [sflag:$0xA], $0x1400, s0, s23, $0x38;
	[tilespmem:$0x17880] =	vst v63  }
0xec: {  	_ =	swait.ge [sflag:s21], $0x1400  }
0xed: {  	[sflag:s21] =	ssyncset.done $0x0  }
0xee: {  	[sflag:s21] =	ssyncadd.s32 $0xFFFFEC00  }
0xef: {  	_ =	sfence.sel $0x180000  }
0xf0: {  	[bflag:$0x0] =	sbarrier.arrive $0xFFFF  }
0xf1: {  	_ =	strace $0x90000047  }
0xf2: {  	s0 =	stileid.u32;
	[bflag:$0x2] =	sbarrier.arrive $0xFFFF  }
0xf3: {  	p0 =	sne.s32 s0, $0x0;
	s0 =	rddreg [dreg:$0x6]  }
0xf4: {  	s0 =	sadd.s32 @!p0 $0x100000, s0  }
0xf5: {  	[sflag:s0] =	ssyncadd.tile.s32 @!p0 $0x1;
	_ =	shalt  }
.Lfunc_end2:
_tile_overlayer_lowered:
.L_overlay_start_2:
0xf6: {  	(tag) =	ssettag $0x2  }
0xf7: {  	s0 =	rddreg [dreg:$0x0];
	s2 =	stileid.u32  }
0xf8: {  	s1 =	rddreg [dreg:$0x1];
	p0 =	sne.s32 s2, $0x0  }
0xf9: {  	s3 =	rddreg [dreg:$0x2];
	[bflag:$0x3] =	sbarrier.arrive $0xFFFF;
	s2 =	simm.s32 @!p0 $0x1C0A  }
0xfa: {  	[timem:s3], [sflag:s2] =	dma.local @!p0 [hbm:s0], s1  }
0xfb: {  	s0 =	simm.s32 @!p0 $0xA  }
0xfc: {  	_ =	swait.ge @!p0 [sflag:s0], s1  }
0xfd: {  	s1 =	ssub.s32 @!p0 $0x0, s1;
	[sflag:s0] =	ssyncset.done @!p0 $0x0  }
0xfe: {  	[sflag:s0] =	ssyncadd.s32 @!p0 s1  }
0xff: {  	[bflag:$0x3] =	sbarrier.arrive $0xFFFF  }
0x100: {  	_ =	shalt  }

// kernel: kernel.9.cloned.1.call-start
scs
__scs_entry_jumppad:
0x0: {  	(pc) =	sbr.rel $0x88, $3  }
0x1: {  	(tag) =	ssettag $0x0;
	lr =	simm.s32 $0x1  }
0x2: {  	[smem:$0x3F98] =	sst lr;
	_ =	strace $0xD0000000  }
0x3: {  	_ = 	snop  }
0x4: {  	_ = 	snop  }
0x5: {  	_ = 	snop  }
0x6: {  	_ = 	snop  }
0x7: {  	_ = 	snop  }
__scs_overlays_trampoline_lowered:
0x8: {  	[smem:$0x3FA7] =	sst s0  }
0x9: {  	[smem:$0x3FA8] =	sst s1  }
0xa: {  	[smem:$0x3FA9] =	sst s2  }
0xb: {  	[smem:$0x3FAA] =	sst s3  }
0xc: {  	[smem:$0x3FAB] =	sst s4  }
0xd: {  	[smem:$0x3FAC] =	sst s5  }
0xe: {  	[smem:$0x3FAD] =	sst s6  }
0xf: {  	[smem:$0x3FAE] =	sst s7  }
0x10: {  	[smem:$0x3FAF] =	sst s8  }
0x11: {  	[smem:$0x3FB0] =	sst s9;
	s0 =	simm.s32 @!p0 $0x0  }
0x12: {  	s1 =	sld [smem:$0x3F96];
	s0 =	simm.s32 @p0 $0x1  }
0x13: {  	[smem:$0x3FB1] =	sst s0;
	s0 =	simm.s32 @!p1 $0x0  }
0x14: {  	s2 =	sld [smem:$0x3F95];
	s0 =	simm.s32 @p1 $0x1  }
0x15: {  	[smem:$0x3FB2] =	sst s0;
	s0 =	simm.s32 @!p2 $0x0  }
0x16: {  	s3 =	sld [smem:$0x3FDB];
	s0 =	simm.s32 @p2 $0x1  }
0x17: {  	s4 =	simm.s32 $0x1BF5;
	[smem:$0x3FB4] =	sst s0  }
0x18: {  	s0 =	sld [smem:$0x3F97];
	_ =	swait.ge [sflag:s4], $0x0  }
0x19: {  	s7 =	sld [smem:$0x3F98]  }
0x1a: {  	s8 =	sadd.s32 $0xFFFFE003, lr  }
0x1b: {  	s9 =	sadd.s32 $0xFFFFFEF7, lr;
	s5 =	simm.s32 $0xFFFFFFFF;
	p2 =	slt.u32 s8, $0xFFFFF086  }
0x1c: {  	p1 =	slt.u32 s9, $0xF7A;
	s5 =	simm.s32 @!p2 $0x0  }
0x1d: {  	s5 =	simm.s32 @p1 $0x1;
	p0 =	seq.s32 s7, s2  }
0x1e: {  	s7 =	smul.u32 @!p0 $0xF7A, s2;
	p2 =	seq.s32 @!p0 s5, $0x0  }
0x1f: {  	s9 =	smul.u32 $0xF7A, s1;
	s8 =	simm.s32 @!p0 $0x1BF5;
	p2 =	por !p2, p0  }
0x20: {  	[sflag:s8] =	ssyncset.s32 @!p0 $0xFFFFF086;
	s6 =	sadd.s32 @!p0 s3, s7;
	s7 =	simm.s32 @!p0 $0x108  }
0x21: {  	s3 =	sadd.s32 s3, s9;
	s6 =	sadd.s32 @!p0 $0x88, s6;
	s7 =	simm.s32 @p2 $0x1082  }
0x22: {  	[simem:s7], [sflag:s8] =	dma.local @!p0 [hbm:s6], $0xF7A  }
0x23: {  	s9 =	sor.u32 $0xD0000000, s2;
	s6 =	simm.s32 $0x108;
	_ =	swait.ge @!p0 [sflag:s8], $0x0  }
0x24: {  	s3 =	sadd.s32 $0x88, s3;
	s6 =	simm.s32 @!p1 $0x1082;
	[sflag:s4] =	ssyncset.s32 $0xFFFFF086  }
0x25: {  	[simem:s6], [sflag:s4] =	dma.local [hbm:s3], $0xF7A  }
0x26: {  	[smem:$0x3F98] =	sst s1;
	(tag) =	ssettag s2;
	_ =	strace s9  }
0x27: {  	s1 =	sld [smem:$0x3FA8]  }
0x28: {  	s2 =	sld [smem:$0x3FA9]  }
0x29: {  	s4 =	sld [smem:$0x3FAB]  }
0x2a: {  	p0 =	seq.s32 s5, $0x0;
	s5 =	sld [smem:$0x3FAC]  }
0x2b: {  	s6 =	sld [smem:$0x3FAD]  }
0x2c: {  	s7 =	sld [smem:$0x3FAE]  }
0x2d: {  	s3 =	simm.s32 $0x108;
	s8 =	sld [smem:$0x3FAF]  }
0x2e: {  	s3 =	simm.s32 @!p0 $0x1082;
	s9 =	sld [smem:$0x3FB0]  }
0x2f: {  	lr =	sadd.s32 s0, s3;
	s0 =	sld [smem:$0x3FA7]  }
0x30: {  	s3 =	sld [smem:$0x3FAA]  }
0x31: {  	[smem:$0x3FB3] =	sst s10  }
0x32: {  	s10 =	sld [smem:$0x3FB1];
	_ =	sdelay $0x3  }
0x33: {  	p0 =	seq.s32 s10, $0x1;
	s10 =	sld [smem:$0x3FB3];
	_ =	sdelay $0x3  }
0x34: {  	[smem:$0x3FB3] =	sst s10  }
0x35: {  	s10 =	sld [smem:$0x3FB2];
	_ =	sdelay $0x3  }
0x36: {  	p1 =	seq.s32 s10, $0x1;
	s10 =	sld [smem:$0x3FB3];
	_ =	sdelay $0x3  }
0x37: {  	[smem:$0x3FB3] =	sst s10  }
0x38: {  	s10 =	sld [smem:$0x3FB4]  }
0x39: {  	_ = 	snop;
	(pc) =	sbr.ind lr, $3  }
0x3a: {  	_ = 	snop  }
0x3b: {  	_ = 	snop  }
0x3c: {  	p2 =	seq.s32 s10, $0x1;
	s10 =	sld [smem:$0x3FB3]  }
0x3d: {  	_ =	shalt  }
0x3e: {  	_ =	shalt  }
0x3f: {  	_ =	shalt  }
0x40: {  	_ =	shalt  }
0x41: {  	_ =	shalt  }
0x42: {  	_ =	shalt  }
0x43: {  	_ =	shalt  }
0x44: {  	_ =	shalt  }
0x45: {  	_ =	shalt  }
0x46: {  	_ =	shalt  }
0x47: {  	_ =	shalt  }
0x48: {  	_ =	shalt  }
0x49: {  	_ =	shalt  }
0x4a: {  	_ =	shalt  }
0x4b: {  	_ =	shalt  }
0x4c: {  	_ =	shalt  }
0x4d: {  	_ =	shalt  }
0x4e: {  	_ =	shalt  }
0x4f: {  	_ =	shalt  }
0x50: {  	_ =	shalt  }
0x51: {  	_ =	shalt  }
0x52: {  	_ =	shalt  }
0x53: {  	_ =	shalt  }
0x54: {  	_ =	shalt  }
0x55: {  	_ =	shalt  }
0x56: {  	_ =	shalt  }
0x57: {  	_ =	shalt  }
0x58: {  	_ =	shalt  }
0x59: {  	_ =	shalt  }
0x5a: {  	_ =	shalt  }
0x5b: {  	_ =	shalt  }
0x5c: {  	_ =	shalt  }
0x5d: {  	_ =	shalt  }
0x5e: {  	_ =	shalt  }
0x5f: {  	_ =	shalt  }
0x60: {  	_ =	shalt  }
0x61: {  	_ =	shalt  }
0x62: {  	_ =	shalt  }
0x63: {  	_ =	shalt  }
0x64: {  	_ =	shalt  }
0x65: {  	_ =	shalt  }
0x66: {  	_ =	shalt  }
0x67: {  	_ =	shalt  }
0x68: {  	_ =	shalt  }
0x69: {  	_ =	shalt  }
0x6a: {  	_ =	shalt  }
0x6b: {  	_ =	shalt  }
0x6c: {  	_ =	shalt  }
0x6d: {  	_ =	shalt  }
0x6e: {  	_ =	shalt  }
0x6f: {  	_ =	shalt  }
0x70: {  	_ =	shalt  }
0x71: {  	_ =	shalt  }
0x72: {  	_ =	shalt  }
0x73: {  	_ =	shalt  }
0x74: {  	_ =	shalt  }
0x75: {  	_ =	shalt  }
0x76: {  	_ =	shalt  }
0x77: {  	_ =	shalt  }
0x78: {  	_ =	shalt  }
0x79: {  	_ =	shalt  }
0x7a: {  	_ =	shalt  }
0x7b: {  	_ =	shalt  }
0x7c: {  	_ =	shalt  }
0x7d: {  	_ =	shalt  }
0x7e: {  	_ =	shalt  }
0x7f: {  	_ =	shalt  }
0x80: {  	_ =	shalt  }
0x81: {  	_ =	shalt  }
0x82: {  	_ =	shalt  }
0x83: {  	_ =	shalt  }
0x84: {  	_ =	shalt  }
0x85: {  	_ =	shalt  }
0x86: {  	_ =	shalt  }
0x87: {  	_ =	shalt  }
.Lfunc_end0:
.L_simem_size_0:
called_computation.1_lowered:
.L_overlay_start_0:
0x88: {  	s2 =	sld [smem:$0x3FD9]  }
0x89: {  	s3 =	sld [smem:$0x3FFE];
	_ =	sdelay $0x1  }
0x8a: {  	s1 =	srdreg.scid  }
0x8b: {  	s0 =	sand.u32 $0x1, s1  }
0x8c: {  	s17 =	sshll.u32 s0, $0xA;
	s2 =	sadd.s32 s3, s2  }
0x8d: {  	s2 =	sadd.s32 s2, s17  }
0x8e: {  	[smem:$0x3FBF] =	sst s2  }
0x8f: {  	_ = 	snop  }
0x90: {  	s2 =	sld [smem:$0x3FC8]  }
0x91: {  	s18 =	sld [smem:$0x3FC7]  }
0x92: {  	s4 =	sld [smem:$0x3FD0];
	(tm) =	ssettm $0x1  }
0x93: {  	s5 =	sld [smem:$0x3FFB];
	_ =	sdelay $0x3  }
0x94: {  	_ =	strace s5  }
0x95: {  	s5 =	sld [smem:$0x3FFC];
	_ =	sdelay $0x3  }
0x96: {  	_ =	strace s5  }
0x97: {  	s5 =	sld [smem:$0x3FFD];
	_ =	sdelay $0x3  }
0x98: {  	_ =	strace s5  }
0x99: {  	_ =	strace $0x8FFFFFFF  }
0x9a: {  	s19 =	sld [smem:$0x3FDB];
	_ =	sdelay $0x1  }
0x9b: {  	s6 =	simm.s32 $_scs_section_size  }
0x9c: {  	s7 =	simm.s32 $_size__tile_overlayer_lowered;
	s8 =	simm.s32 $_tile_overlayer_lowered  }
0x9d: {  	s22 =	simm.s32 $0x1BFF;
	s21 =	sshll.u32 s8, $0x1;
	s5 =	sadd.s32 s6, s19  }
0x9e: {  	s9 =	simm.s32 $0x0;
	s20 =	sshll.u32 s7, $0x1;
	s7 =	sadd.s32 s21, s5  }
0x9f: {  	[timem:s9], [sflag:s22] =	dma.local [hbm:s7], s20  }
0xa0: {  	_ =	swait.ge [sflag:s22], s20  }
0xa1: {  	s6 =	ssub.s32 $0x0, s20;
	[sflag:s22] =	ssyncset.done $0x0  }
0xa2: {  	[sflag:s22] =	ssyncadd.s32 s6;
	_ =	sdelay $0x1  }
0xa3: {  	s23 =	simm.s32 $0x1B8B  }
0xa4: {  	_ =	swait.ge [sflag:s23], $0x1  }
0xa5: {  	[sflag:s23] =	ssyncset.done $0x0  }
0xa6: {  	s25 =	simm.s32 $0x1B8E;
	s24 =	sld [smem:$0x3FFE];
	[sflag:s23] =	ssyncadd.s32 $0xFFFFFFFF  }
0xa7: {  	s26 =	simm.s32 $execute0_lowered;
	[smem:$0x3FD2] =	sst s25  }
0xa8: {  	s7 =	sshll.u32 s26, $0x1;
	_ =	strace $0x80000049;
	[dreg:$0x1] =	wrdreg $0xFFFFFFFF  }
0xa9: {  	s28 =	simm.s32 $_size_execute0_lowered;
	s5 =	sadd.s32 s5, s7;
	[dreg:$0x0] =	wrdreg $0x0  }
0xaa: {  	s7 =	sshll.u32 s28, $0x1;
	[dreg:$0x2] =	wrdreg s5  }
0xab: {  	[dreg:$0x3] =	wrdreg s7  }
0xac: {  	[dreg:$0x4] =	wrdreg $0xC0  }
0xad: {  	_ =	task [dreg:s9], $0x5FFFF  }
0xae: {  	[dreg:$0x1] =	wrdreg $0xFFFFFFFF  }
0xaf: {  	[dreg:$0x0] =	wrdreg $0x60  }
0xb0: {  	[dreg:$0x2] =	wrdreg s4  }
0xb1: {  	[dreg:$0x3] =	wrdreg s18  }
0xb2: {  	[dreg:$0x4] =	wrdreg s2  }
0xb3: {  	[dreg:$0x5] =	wrdreg s24  }
0xb4: {  	[dreg:$0x6] =	wrdreg $0x83000  }
0xb5: {  	[dreg:$0x7] =	wrdreg $0x9  }
0xb6: {  	_ =	task.clear_ibuf [dreg:s9], $0x8FFFF;
	_ =	strace $0x90000049  }
0xb7: {  	s29 =	simm.s32 $0x9;
	_ =	strace $0x8000004B  }
0xb8: {  	_ =	swait.ge [sflag:s29], $0x1  }
0xb9: {  	[sflag:s29] =	ssyncadd.s32 $0xFFFFFFFF  }
0xba: {  	_ =	strace $0x9000004B  }
0xbb: {  	_ =	sfence  }
0xbc: {  	s30 =	sld [smem:$0x0];
	_ =	sdelay $0x2  }
0xbd: {  	s31 =	sshll.u32 s1, $0xD;
	s1 =	sshrl.u32 s1, $0x2  }
0xbe: {  	s3 =	sand.u32 $0x4000, s31;
	s1 =	sadd.s32 s1, s30  }
0xbf: {  	s0 =	sor.u32 s3, s0;
	s1 =	sshll.u32 s1, $0x11  }
0xc0: {  	s0 =	sor.u32 s1, s0  }
0xc1: {  	s0 =	sadd.s32 $0x8F2B, s0  }
0xc2: {  	[sflag:s0] =	ssyncadd.remote.s32 $0x1  }
0xc3: {  	_ =	sfence.sel $0xFFFF  }
0xc4: {  	[dreg:$0x0] =	wrdreg $0xFFFFFFFF;
	(pc) =	sbr.abs _section_cstart, $3  }
0xc5: {  	[dreg:$0x1] =	wrdreg $0xFFFFFFFF  }
0xc6: {  	_ =	task.clear_ibuf [dreg:s9], $0x2FFFF;
	_ =	strace $0x9FFFFFFF  }
0xc7: {  	(tm) =	ssettm $0x7FFFFFFF  }
tec
execute0_lowered:
.L_overlay_start_1:
0x0: {  	(tag) =	ssettag $0x1  }
0x1: {  	s1 =	rddreg [dreg:$0x0]  }
0x2: {  	s14 =	rddreg [dreg:$0x1]  }
0x3: {  	s15 =	rddreg [dreg:$0x2]  }
0x4: {  	s6 =	rddreg [dreg:$0x3]  }
0x5: {  	s3 =	rddreg [dreg:$0x4];
	s0 =	stileid.u32  }
0x6: {  	s5 =	srdreg.scid;
	s4 =	simm.s32 $0x0;
	s20 =	simm.s32 $0x4180  }
0x7: {  	s22 =	simm.s32 $0x1;
	s28 =	simm.s32 $0x100;
	s29 =	simm.s32 $0x0  }
0x8: {  	s7 =	smul.u32 $0x2780, s0;
	s5 =	sand.u32 $0x1, s5;
	[smem:$0x7FF] =	sst s4  }
0x9: {  	s10 =	smul.u32 $0x4F000, s0;
	s30 =	sshll.u32 s0, $0x6;
	s18 =	sshll.u32 s0, $0x5  }
0xa: {  	s8 =	smul.u32 $0x27800, s5;
	_ =	strace $0x8000004A;
	s23 =	ssub.s32 $0x2, s5  }
0xb: {  	s19 =	sshll.u32 s5, $0x4;
	s9 =	sadd.s32 s7, s6;
	s24 =	sshrl.u32 s23, $0x1  }
0xc: {  	s26 =	sshrl.u32 s10, $0x2;
	s7 =	sadd.s32 s7, s8;
	s16 =	ssub.s32 s23, s24  }
0xd: {  	s17 =	sadd.s32 s26, s3;
	s2 =	sadd.s32 $0x2000, s9;
	s8 =	sor.u32 $0x1C07, s30  }
0xe: {  	s23 =	simm.s32 $0x180;
	s24 =	simm.s32 $0x2;
	s26 =	simm.s32 $0x3  }
0xf: {  	s13 =	sadd.s32 s7, s6;
	s6 =	sshll.u32 s0, $0x1;
	[dreg:$0x6] =	wrdreg s2  }
0x10: {  	s17 =	sshrl.u32 s17, $0x3;
	s25 =	sor.u32 s5, s6;
	s13 =	sadd.s32 $0x29800, s13  }
.Ltmp0:
0x11: {  	s31 =	sshll.u32 s25, $0x4;
	s25 =	simm.s32 $0x4300;
	(pc) =	sbr.rel .LBB2_1-.Ltmp0, $4  }
0x12: {  	s12 =	sor.u32 $0x200, s31;
	s9 =	sadd.s32 s14, s31;
	s10 =	sadd.s32 s15, s31  }
0x13: {  	s11 =	sadd.s32 s14, s12;
	s12 =	sadd.s32 s15, s12;
	s15 =	sadd.s32 s18, s15  }
0x14: {  	s18 =	sadd.s32 s18, s14;
	s14 =	smax.u32 s16, $0x1;
	s15 =	sadd.s32 s19, s15  }
0x15: {  	s16 =	sadd.s32 s19, s18;
	s18 =	simm.s32 $0x7;
	s19 =	simm.s32 $0x80  }
.LBB2_7:
0x16: {  	s29 =	sadd.s32 $0x1, s29  }
0x17: {  	p0 =	sne.s32 s29, s14  }
.Ltmp1:
0x18: {  	[bflag:$0x0] =	sbarrier.arrive $0xFFFF;
	(pc) =	sbr.rel @!p0 .LBB2_8-.Ltmp1, $4  }
0x19: {  	[hbm:s13], [sflag:s8] =	dma.local [spmem:s17], $0x2780  }
0x1a: {  	_ =	swait.ge [sflag:s18], $0x2780  }
0x1b: {  	[sflag:s18] =	ssyncset.done $0x0  }
0x1c: {  	[sflag:s18] =	ssyncadd.s32 $0xFFFFD880  }
.LBB2_1:
0x1d: {  	s0 =	rddreg [dreg:$0x6]  }
0x1e: {  	[spmem:s17], [sflag:s8] =	dma.local [hbm:s0], $0x2780  }
0x1f: {  	_ =	swait.ge [sflag:s18], $0x2780  }
0x20: {  	[sflag:s18] =	ssyncset.done $0x0  }
0x21: {  	[sflag:s18] =	ssyncadd.s32 $0xFFFFD880  }
0x22: {  	[bflag:$0x0] =	sbarrier.arrive $0xFFFF  }
0x23: {  	[tilespmem:s4], [sflag:$0x1] =	stream.linear.gather [hbm4b:s9+s4], $0x80, $0x38;
	[tilespmem:$0x1BF00] =	vst v63  }
0x24: {  	_ = 	snop  }
0x25: {  	[tilespmem:s19], [sflag:$0x1] =	stream.linear.gather [hbm4b:s10+s4], $0x80, $0x38;
	[tilespmem:$0x1BF00] =	vst v63  }
0x26: {  	_ = 	snop  }
0x27: {  	[tilespmem:s20], [sflag:$0x2] =	stream.linear.gather [hbm4b:s11+s4], $0x80, $0x38;
	[tilespmem:$0x1BF00] =	vst v63  }
0x28: {  	s21 =	simm.s32 $0x4200  }
0x29: {  	[tilespmem:s21], [sflag:$0x2] =	stream.linear.gather [hbm4b:s12+s4], $0x80, $0x38;
	[tilespmem:$0x1BF00] =	vst v63  }
0x2a: {  	_ =	swait.ge [sflag:s22], $0x80  }
0x2b: {  	[sflag:s22] =	ssyncset.done $0x0  }
.Ltmp2:
0x2c: {  	[sflag:s22] =	ssyncadd.s32 $0xFFFFFF80;
	(pc) =	sbr.rel .LBB2_2-.Ltmp2, $4  }
0x2d: {  	_ =	swait.ge [sflag:s22], $0x80  }
0x2e: {  	[sflag:s22] =	ssyncset.done $0x0  }
0x2f: {  	s30 =	smov.u32 s6;
	s31 =	simm.s32 $0x0;
	[sflag:s22] =	ssyncadd.s32 $0xFFFFFF80  }
0x30: {  	[tilespmem:s23], [sflag:$0x3] =	stream.indirect.gather [hbm4b:s1+s19], $0x80, s4, s19, $0xb8;
	[tilespmem:$0x1BF00] =	vst v63  }
.LBB2_3:
0x31: {  	_ =	swait.ge [sflag:s24], $0x80  }
0x32: {  	[sflag:s24] =	ssyncset.done $0x0  }
0x33: {  	[sflag:s24] =	ssyncadd.s32 $0xFFFFFF80  }
0x34: {  	_ =	swait.ge [sflag:s24], $0x80  }
0x35: {  	[sflag:s24] =	ssyncset.done $0x0  }
0x36: {  	[sflag:s24] =	ssyncadd.s32 $0xFFFFFF80  }
0x37: {  	[tilespmem:s25], [sflag:$0x4] =	stream.indirect.gather [hbm4b:s1+s19], $0x80, s20, s19, $0xb8;
	[tilespmem:$0x1BF00] =	vst v63  }
.LBB2_5:
0x38: {  	_ =	swait.ge [sflag:s26], $0x4000  }
0x39: {  	[sflag:s26] =	ssyncset.done $0x0  }
0x3a: {  	[sflag:s26] =	ssyncadd.s32 $0xFFFFC000  }
0x3b: {  	v0 =	vld [tilespmem:$0x80]  }
0x3c: {  	v1 =	vld [tilespmem:$0x90]  }
0x3d: {  	v2 =	vld [tilespmem:$0xA0]  }
0x3e: {  	v3 =	vld [tilespmem:$0xB0]  }
0x3f: {  	v4 =	vld [tilespmem:$0xC0]  }
0x40: {  	v61 =	vld [tilespmem:$0xD0];
	[tilespmem:$0x100] =	vst v0  }
0x41: {  	v62 =	vld [tilespmem:$0xE0];
	[tilespmem:$0x110] =	vst v1  }
0x42: {  	v63 =	vld [tilespmem:$0xF0];
	[tilespmem:$0x120] =	vst v2  }
0x43: {  	[tilespmem:$0x130] =	vst v3  }
0x44: {  	[tilespmem:$0x140] =	vst v4  }
0x45: {  	[tilespmem:$0x150] =	vst v61  }
0x46: {  	[tilespmem:$0x160] =	vst v62  }
0x47: {  	p2 =	por $0x1, $0x1;
	[tilespmem:$0x170] =	vst v63  }
0x48: {  	[spmem:s3] =	stream.indirect.scatter.add.f32 [tilespmem:s23], [sflag:$0x5], $0x80, s28, s19, $0xb8;
	[tilespmem:$0x1BF00] =	vst v63  }
.LBB2_6:
0x49: {  	s0 =	sadd.s32 s30, s5  }
0x4a: {  	s2 =	sadd.s32 $0x40, s0  }
0x4b: {  	p1 =	sgt.u32 s2, $0x9C3  }
0x4c: {  	s2 =	sadd.s32 @!p1 s31, s16  }
0x4d: {  	s21 =	simm.s32 @!p1 $0x0;
	s2 =	sadd.s32 @!p1 $0x400, s2  }
0x4e: {  	[tilespmem:s21], [sflag:$0x1] =	stream.linear.gather @!p1 [hbm4b:s2+s21], $0x80, $0x38;
	[tilespmem:$0x1BF00] =	vst v63  }
0x4f: {  	s2 =	sadd.s32 @!p1 s31, s15  }
0x50: {  	s7 =	simm.s32 @!p1 $0x80;
	s2 =	sadd.s32 @!p1 $0x400, s2  }
0x51: {  	[tilespmem:s7], [sflag:$0x1] =	stream.linear.gather @!p1 [hbm4b:s2+s21], $0x80, $0x38;
	[tilespmem:$0x1BF00] =	vst v63  }
0x52: {  	s2 =	simm.s32 @p2 $0x5  }
0x53: {  	_ =	swait.ge @p2 [sflag:s2], $0x4000  }
0x54: {  	[sflag:s2] =	ssyncset.done @p2 $0x0  }
0x55: {  	[sflag:s2] =	ssyncadd.s32 @p2 $0xFFFFC000;
	s2 =	simm.s32 @!p1 $0x1  }
0x56: {  	_ =	swait.ge @!p1 [sflag:s2], $0x80  }
0x57: {  	[sflag:s2] =	ssyncset.done @!p1 $0x0  }
0x58: {  	[sflag:s2] =	ssyncadd.s32 @!p1 $0xFFFFFF80  }
0x59: {  	_ =	swait.ge @!p1 [sflag:s2], $0x80  }
0x5a: {  	[sflag:s2] =	ssyncset.done @!p1 $0x0  }
0x5b: {  	[sflag:s2] =	ssyncadd.s32 @!p1 $0xFFFFFF80;
	s2 =	simm.s32 @!p1 $0x180  }
0x5c: {  	[tilespmem:s2], [sflag:$0x3] =	stream.indirect.gather @!p1 [hbm4b:s1+s7], $0x80, s21, s7, $0xb8;
	[tilespmem:$0x1BF00] =	vst v63  }
0x5d: {  	s2 =	simm.s32 @!p0 $0x4  }
0x5e: {  	_ =	swait.ge @!p0 [sflag:s2], $0x4000  }
0x5f: {  	[sflag:s2] =	ssyncset.done @!p0 $0x0  }
0x60: {  	[sflag:s2] =	ssyncadd.s32 @!p0 $0xFFFFC000  }
0x61: {  	v0 =	vld @!p0 [tilespmem:$0x4200]  }
0x62: {  	v1 =	vld @!p0 [tilespmem:$0x4210]  }
0x63: {  	v2 =	vld @!p0 [tilespmem:$0x4220]  }
0x64: {  	v3 =	vld @!p0 [tilespmem:$0x4230]  }
0x65: {  	v4 =	vld @!p0 [tilespmem:$0x4240]  }
0x66: {  	[tilespmem:$0x4280] =	vst @!p0 v0;
	v0 =	vld @!p0 [tilespmem:$0x4250]  }
0x67: {  	[tilespmem:$0x4290] =	vst @!p0 v1;
	v1 =	vld @!p0 [tilespmem:$0x4260]  }
0x68: {  	[tilespmem:$0x42A0] =	vst @!p0 v2;
	v2 =	vld @!p0 [tilespmem:$0x4270]  }
0x69: {  	[tilespmem:$0x42B0] =	vst @!p0 v3  }
0x6a: {  	[tilespmem:$0x42C0] =	vst @!p0 v4  }
0x6b: {  	[tilespmem:$0x42D0] =	vst @!p0 v0  }
0x6c: {  	s0 =	sadd.s32 $0x60, s0;
	[tilespmem:$0x42E0] =	vst @!p0 v1  }
0x6d: {  	s7 =	simm.s32 @!p0 $0x4280;
	s21 =	simm.s32 @!p0 $0x4300;
	s2 =	simm.s32 @!p0 $0x80;
	[tilespmem:$0x42F0] =	vst @!p0 v2  }
0x6e: {  	[spmem:s3] =	stream.indirect.scatter.add.f32 @!p0 [tilespmem:s21], [sflag:$0x6], $0x80, s7, s2, $0xb8;
	[tilespmem:$0x1BF00] =	vst v63  }
0x6f: {  	p0 =	sgt.u32 s0, $0x9C3  }
0x70: {  	s0 =	sadd.s32 @!p0 s31, s16  }
0x71: {  	s2 =	simm.s32 @!p0 $0x0;
	s7 =	simm.s32 @!p0 $0x4180;
	s0 =	sadd.s32 @!p0 $0x600, s0  }
0x72: {  	[tilespmem:s7], [sflag:$0x2] =	stream.linear.gather @!p0 [hbm4b:s0+s2], $0x80, $0x38;
	[tilespmem:$0x1BF00] =	vst v63  }
0x73: {  	s0 =	sadd.s32 @!p0 s31, s15  }
0x74: {  	s7 =	simm.s32 @!p0 $0x4200;
	s31 =	sadd.s32 $0x400, s31;
	s0 =	sadd.s32 @!p0 $0x600, s0  }
0x75: {  	[tilespmem:s7], [sflag:$0x2] =	stream.linear.gather @!p0 [hbm4b:s0+s2], $0x80, $0x38;
	[tilespmem:$0x1BF00] =	vst v63  }
0x76: {  	p0 =	sne.s32 s31, $0xA000  }
.Ltmp3:
0x77: {  	_ = 	snop;
	(pc) =	sbr.rel @!p0 .LBB2_7-.Ltmp3, $2  }
0x78: {  	_ =	sdelay $0x2  }
0x79: {  	s30 =	sadd.s32 $0x40, s30  }
.LBB2_2:
0x7a: {  	p0 =	sgt.u32 s30, $0x9A3  }
.Ltmp4:
0x7b: {  	p1 =	seq.s32 s31, $0x0;
	(pc) =	sbr.rel @!p0 .LBB2_3-.Ltmp4, $4  }
0x7c: {  	s0 =	simm.s32 @!p1 $0x6  }
0x7d: {  	_ =	swait.ge @!p1 [sflag:s0], $0x4000  }
0x7e: {  	[sflag:s0] =	ssyncset.done @!p1 $0x0  }
0x7f: {  	[sflag:s0] =	ssyncadd.s32 @!p1 $0xFFFFC000  }
0x80: {  	p1 =	sgt.u32 s30, $0x9C3  }
.Ltmp5:
0x81: {  	_ = 	snop;
	(pc) =	sbr.rel @p1 .LBB2_6-.Ltmp5, $4  }
.Ltmp6:
0x82: {  	_ = 	snop;
	(pc) =	sbr.rel @!p1 .LBB2_5-.Ltmp6, $4  }
0x83: {  	_ = 	snop  }
0x84: {  	_ = 	snop  }
0x85: {  	p2 =	por $0x0, $0x0  }
0x86: {  	_ = 	snop  }
.LBB2_8:
0x87: {  	_ =	sfence.sel $0x180000  }
0x88: {  	[bflag:$0x0] =	sbarrier.arrive $0xFFFF  }
0x89: {  	_ =	strace $0x9000004A  }
0x8a: {  	s0 =	stileid.u32;
	[bflag:$0x2] =	sbarrier.arrive $0xFFFF  }
0x8b: {  	p0 =	sne.s32 s0, $0x0;
	s0 =	rddreg [dreg:$0x5]  }
0x8c: {  	s0 =	sadd.s32 @!p0 $0x100000, s0  }
0x8d: {  	[sflag:s0] =	ssyncadd.tile.s32 @!p0 $0x1;
	_ =	shalt  }
.Lfunc_end2:
_tile_overlayer_lowered:
.L_overlay_start_2:
0x8e: {  	(tag) =	ssettag $0x2  }
0x8f: {  	s0 =	rddreg [dreg:$0x0];
	s2 =	stileid.u32  }
0x90: {  	s1 =	rddreg [dreg:$0x1];
	p0 =	sne.s32 s2, $0x0  }
0x91: {  	s3 =	rddreg [dreg:$0x2];
	[bflag:$0x3] =	sbarrier.arrive $0xFFFF;
	s2 =	simm.s32 @!p0 $0x1C07  }
0x92: {  	[timem:s3], [sflag:s2] =	dma.local @!p0 [hbm:s0], s1  }
0x93: {  	s0 =	simm.s32 @!p0 $0x7  }
0x94: {  	_ =	swait.ge @!p0 [sflag:s0], s1  }
0x95: {  	s1 =	ssub.s32 @!p0 $0x0, s1;
	[sflag:s0] =	ssyncset.done @!p0 $0x0  }
0x96: {  	[sflag:s0] =	ssyncadd.s32 @!p0 s1  }
0x97: {  	[bflag:$0x3] =	sbarrier.arrive $0xFFFF  }
0x98: {  	_ =	shalt  }

</sc_bundles>
